<compile_context>
chip_gen: v7x
topology: tpu7x:2x2x1
jax: 0.10.2.dev20260603
libtpu: 0.0.44.dev20260713+nightly
codegen_flags: <defaults>
</compile_context>

<pallas_src>
import functools

import jax
import jax.numpy as jnp
from jax import lax
from jax.experimental import pallas as pl
from jax.experimental.pallas import tpu as pltpu
from jax.experimental.pallas import tpu_sc as plsc

_IDS = 8
_NB = 2
_RB = 3
_SEG = (128, 72)


@functools.cache
def _build(batch: int, hist: int, vocab: int, dim: int):
    info = plsc.get_sparse_core_info()
    nw = info.num_cores * info.num_subcores
    assert batch % (nw * _IDS) == 0
    assert sum(_SEG) == hist
    b_per_w = batch // nw
    nblocks = b_per_w // _IDS
    nsegs = 2 * b_per_w
    segmax = max(_SEG)

    mesh = plsc.VectorSubcoreMesh(core_axis_name="c", subcore_axis_name="s")

    @functools.partial(
        pl.kernel,
        mesh=mesh,
        out_type=jax.ShapeDtypeStruct((batch, hist, 2 * dim), jnp.float32),
        scratch_types=[
            pltpu.VMEM((_NB, _IDS, hist), jnp.int32),
            pltpu.VMEM((_RB, segmax, 2 * dim), jnp.float32),
            pltpu.SemaphoreType.DMA((_NB,)),
            pltpu.SemaphoreType.DMA((_RB,)),
            pltpu.SemaphoreType.DMA((_RB,)),
        ],
        compiler_params=pltpu.CompilerParams(use_tc_tiling_on_sc=True),
    )
    def gather_kernel(ids_hbm, table_hbm, out_hbm, idx_v, rows_v,
                      isem, gsem, osem):
        wid = lax.axis_index("s") * info.num_cores + lax.axis_index("c")
        base = wid * b_per_w

        def ids_copy(blk, ib):
            return pltpu.make_async_copy(
                ids_hbm.at[pl.ds(base + blk * _IDS, _IDS)],
                idx_v.at[ib], isem.at[ib])

        def gather_seg(r, s, gb):
            off = sum(_SEG[:s])
            n = _SEG[s]
            ib = lax.rem(r // _IDS, _NB)
            rr = lax.rem(r, _IDS)
            return pltpu.make_async_copy(
                table_hbm.at[idx_v.at[ib, rr, pl.ds(off, n)]],
                rows_v.at[gb, pl.ds(0, n)], gsem.at[gb])

        def out_seg(r, s, gb):
            off = sum(_SEG[:s])
            n = _SEG[s]
            return pltpu.make_async_copy(
                rows_v.at[gb, pl.ds(0, n)],
                out_hbm.at[base + r, pl.ds(off, n)], osem.at[gb])

        ids_copy(0, 0).start()
        ids_copy(1, 1).start()
        ids_copy(0, 0).wait()
        gather_seg(0, 0, 0).start()

        def seg_stuff(g, s):
            r = g // 2
            gb = lax.rem(g, _RB)
            ngb = lax.rem(g + 1, _RB)
            @pl.when(g >= 2)
            def _():
                out_seg(r - 1, s, ngb).wait()
            @pl.when(g + 1 < nsegs)
            def _():
                nr = r + (1 if s == 1 else 0)
                ns = (s + 1) % 2
                if s == 1:
                    @pl.when(lax.rem(nr, _IDS) == 0)
                    def _():
                        ids_copy(nr // _IDS, lax.rem(nr // _IDS, _NB)).wait()
                gather_seg(nr, ns, ngb).start()
            gather_seg(r, s, gb).wait()
            out_seg(r, s, gb).start()
            if s == 1:
                blk = r // _IDS
                @pl.when((lax.rem(r, _IDS) == _IDS - 1)
                         & (blk + 2 < nblocks))
                def _():
                    ids_copy(blk + 2, lax.rem(blk, _NB)).start()

        def seg_body(g, carry):
            @pl.when(lax.rem(g, 2) == 0)
            def _():
                seg_stuff(g, 0)
            @pl.when(lax.rem(g, 2) == 1)
            def _():
                seg_stuff(g, 1)
            return carry

        lax.fori_loop(0, nsegs, seg_body, 0)
        out_seg(b_per_w - 1, 0, lax.rem(nsegs - 2, _RB)).wait()
        out_seg(b_per_w - 1, 1, lax.rem(nsegs - 1, _RB)).wait()

    return gather_kernel


def kernel(input_ids, table):
    batch, hist = input_ids.shape
    vocab, dim = table.shape
    ids = input_ids.astype(jnp.int32)
    table_pad = jnp.pad(table, ((0, 0), (0, dim)))
    out = _build(batch, hist, vocab, dim)(ids, table_pad)
    return out[:, :, :dim]

# --- scband reference (transcript-rebuilt; emitter-appended) ---
"""Pipeline reference for scband-embed-88845693485858 (READ-ONLY COPY).

The authoritative reference and input builder live on the scoring server;
editing this copy changes nothing except your own understanding.
"""

import jax, jax.numpy as jnp
import numpy as np

VOCAB = 1000000
EMBED_DIM = 64
BATCH = 16384
HIST = 200


def setup_inputs(seed: int = 0) -> dict:
    key = jax.random.key(seed)
    k_idx, k_tab = jax.random.split(key)
    input_ids = jax.random.randint(k_idx, (BATCH, HIST), 0, VOCAB, dtype=jnp.int64 if jax.config.jax_enable_x64 else jnp.int32)
    table = jax.random.normal(k_tab, (VOCAB, EMBED_DIM), dtype=jnp.float32) * 0.02
    return {"input_ids": input_ids, "table": table}


def reference(input_ids, table):
    # nn.Embedding forward: row gather from the embedding table
    return jnp.take(table, input_ids, axis=0)

if __name__ == "__main__":
    import jax
    _d = setup_inputs()
    print(jax.jit(kernel)(*tuple(_d.values())))

</pallas_src>

<mosaic_0001>
#map = affine_map<(d0, d1) -> (0, 0)>
#map1 = affine_map<(d0, d1) -> (0, 0, 0)>
module attributes {stable_mosaic.version = 14 : i64} {
  func.func @gather_kernel(%arg0: i32, %arg1: i32, %arg2: memref<16384x200xi32, #tpu.memory_space<hbm>>, %arg3: memref<1000000x128xf32, #tpu.memory_space<hbm>>, %arg4: memref<16384x200x128xf32, #tpu.memory_space<hbm>>, %arg5: memref<2x8x200xi32, #tpu.memory_space<vmem>>, %arg6: memref<3x128x128xf32, #tpu.memory_space<vmem>>, %arg7: memref<2x!tpu.dma_semaphore, #tpu.memory_space<semaphore_mem>>, %arg8: memref<3x!tpu.dma_semaphore, #tpu.memory_space<semaphore_mem>>, %arg9: memref<3x!tpu.dma_semaphore, #tpu.memory_space<semaphore_mem>>) attributes {dimension_semantics = [#tpu.dimension_semantics<core_parallel>, #tpu.dimension_semantics<subcore_parallel>], iteration_bounds = array<i64: 2, 16>, scalar_prefetch = 0 : i64, scratch_operands = 5 : i64, tpu.core_type = #tpu.core_type<sc_vector_subcore>, window_params = [{transform_indices = #map}, {transform_indices = #map}, {transform_indices = #map1}]} {
    %mul3A = arith.constant 2 : i32
    %mul3A_0 = arith.muli %arg1, %mul3A : i32
    %add3A = arith.addi %mul3A_0, %arg0 : i32
    %mul3A_1 = arith.constant 512 : i32
    %mul3A_2 = arith.muli %add3A, %mul3A_1 : i32
    %add3A_3 = arith.constant 0 : i32
    %add3A_4 = arith.addi %mul3A_2, %add3A_3 : i32
    %dma_start3A = arith.constant 0 : i32
    %dma_start3A_5 = arith.constant 0 : i32
    %dma_start3A_6 = arith.constant 0 : i32
    %dma_start3A_7 = arith.constant 0 : i32
    %dma_start3A_8 = tpu.memref_slice %arg5[%dma_start3A, %dma_start3A_6, %dma_start3A_7] : memref<2x8x200xi32, #tpu.memory_space<vmem>> -> memref<1x8x200xi32, #tpu.memory_space<vmem>>
    %dma_start3A_9 = tpu.memref_squeeze %dma_start3A_8 : memref<1x8x200xi32, #tpu.memory_space<vmem>> -> memref<8x200xi32, #tpu.memory_space<vmem>>
    %dma_start3A_10 = arith.constant 0 : i32
    %dma_start3A_11 = tpu.memref_slice %arg2[%add3A_4, %dma_start3A_10] : memref<16384x200xi32, #tpu.memory_space<hbm>> -> memref<8x200xi32, #tpu.memory_space<hbm>>
    %dma_start3A_12 = tpu.memref_slice %arg7[%dma_start3A_5] : memref<2x!tpu.dma_semaphore, #tpu.memory_space<semaphore_mem>> -> memref<1x!tpu.dma_semaphore, #tpu.memory_space<semaphore_mem>>
    %dma_start3A_13 = tpu.memref_squeeze %dma_start3A_12 : memref<1x!tpu.dma_semaphore, #tpu.memory_space<semaphore_mem>> -> memref<!tpu.dma_semaphore, #tpu.memory_space<semaphore_mem>>
    %dma_start3A_14 = arith.constant 0 : i32
    %dma_start3A_15 = arith.constant 0 : i32
    %dma_start3A_16 = tpu.memref_slice %arg5[%dma_start3A, %dma_start3A_14, %dma_start3A_15] : memref<2x8x200xi32, #tpu.memory_space<vmem>> -> memref<1x8x200xi32, #tpu.memory_space<vmem>>
    %dma_start3A_17 = tpu.memref_squeeze %dma_start3A_16 : memref<1x8x200xi32, #tpu.memory_space<vmem>> -> memref<8x200xi32, #tpu.memory_space<vmem>>
    %dma_start3A_18 = arith.constant 0 : i32
    %dma_start3A_19 = tpu.memref_slice %arg2[%add3A_4, %dma_start3A_18] : memref<16384x200xi32, #tpu.memory_space<hbm>> -> memref<8x200xi32, #tpu.memory_space<hbm>>
    tpu.enqueue_dma source(%dma_start3A_19 : memref<8x200xi32, #tpu.memory_space<hbm>>) target(%dma_start3A_17 : memref<8x200xi32, #tpu.memory_space<vmem>>) target_semaphore(%dma_start3A_13 : memref<!tpu.dma_semaphore, #tpu.memory_space<semaphore_mem>>)
    %add3A_20 = arith.constant 8 : i32
    %add3A_21 = arith.addi %mul3A_2, %add3A_20 : i32
    %dma_start3A_22 = arith.constant 1 : i32
    %dma_start3A_23 = arith.constant 1 : i32
    %dma_start3A_24 = arith.constant 0 : i32
    %dma_start3A_25 = arith.constant 0 : i32
    %dma_start3A_26 = tpu.memref_slice %arg5[%dma_start3A_22, %dma_start3A_24, %dma_start3A_25] : memref<2x8x200xi32, #tpu.memory_space<vmem>> -> memref<1x8x200xi32, #tpu.memory_space<vmem>>
    %dma_start3A_27 = tpu.memref_squeeze %dma_start3A_26 : memref<1x8x200xi32, #tpu.memory_space<vmem>> -> memref<8x200xi32, #tpu.memory_space<vmem>>
    %dma_start3A_28 = arith.constant 0 : i32
    %dma_start3A_29 = tpu.memref_slice %arg2[%add3A_21, %dma_start3A_28] : memref<16384x200xi32, #tpu.memory_space<hbm>> -> memref<8x200xi32, #tpu.memory_space<hbm>>
    %dma_start3A_30 = tpu.memref_slice %arg7[%dma_start3A_23] : memref<2x!tpu.dma_semaphore, #tpu.memory_space<semaphore_mem>> -> memref<1x!tpu.dma_semaphore, #tpu.memory_space<semaphore_mem>>
    %dma_start3A_31 = tpu.memref_squeeze %dma_start3A_30 : memref<1x!tpu.dma_semaphore, #tpu.memory_space<semaphore_mem>> -> memref<!tpu.dma_semaphore, #tpu.memory_space<semaphore_mem>>
    %dma_start3A_32 = arith.constant 0 : i32
    %dma_start3A_33 = arith.constant 0 : i32
    %dma_start3A_34 = tpu.memref_slice %arg5[%dma_start3A_22, %dma_start3A_32, %dma_start3A_33] : memref<2x8x200xi32, #tpu.memory_space<vmem>> -> memref<1x8x200xi32, #tpu.memory_space<vmem>>
    %dma_start3A_35 = tpu.memref_squeeze %dma_start3A_34 : memref<1x8x200xi32, #tpu.memory_space<vmem>> -> memref<8x200xi32, #tpu.memory_space<vmem>>
    %dma_start3A_36 = arith.constant 0 : i32
    %dma_start3A_37 = tpu.memref_slice %arg2[%add3A_21, %dma_start3A_36] : memref<16384x200xi32, #tpu.memory_space<hbm>> -> memref<8x200xi32, #tpu.memory_space<hbm>>
    tpu.enqueue_dma source(%dma_start3A_37 : memref<8x200xi32, #tpu.memory_space<hbm>>) target(%dma_start3A_35 : memref<8x200xi32, #tpu.memory_space<vmem>>) target_semaphore(%dma_start3A_31 : memref<!tpu.dma_semaphore, #tpu.memory_space<semaphore_mem>>)
    %add3A_38 = arith.constant 0 : i32
    %add3A_39 = arith.addi %mul3A_2, %add3A_38 : i32
    %dma_wait3A = arith.constant 0 : i32
    %dma_wait3A_40 = arith.constant 0 : i32
    %dma_wait3A_41 = arith.constant 0 : i32
    %dma_wait3A_42 = arith.constant 0 : i32
    %dma_wait3A_43 = tpu.memref_slice %arg5[%dma_wait3A, %dma_wait3A_41, %dma_wait3A_42] : memref<2x8x200xi32, #tpu.memory_space<vmem>> -> memref<1x8x200xi32, #tpu.memory_space<vmem>>
    %dma_wait3A_44 = tpu.memref_squeeze %dma_wait3A_43 : memref<1x8x200xi32, #tpu.memory_space<vmem>> -> memref<8x200xi32, #tpu.memory_space<vmem>>
    %dma_wait3A_45 = arith.constant 0 : i32
    %dma_wait3A_46 = tpu.memref_slice %arg2[%add3A_39, %dma_wait3A_45] : memref<16384x200xi32, #tpu.memory_space<hbm>> -> memref<8x200xi32, #tpu.memory_space<hbm>>
    %dma_wait3A_47 = tpu.memref_slice %arg7[%dma_wait3A_40] : memref<2x!tpu.dma_semaphore, #tpu.memory_space<semaphore_mem>> -> memref<1x!tpu.dma_semaphore, #tpu.memory_space<semaphore_mem>>
    %dma_wait3A_48 = tpu.memref_squeeze %dma_wait3A_47 : memref<1x!tpu.dma_semaphore, #tpu.memory_space<semaphore_mem>> -> memref<!tpu.dma_semaphore, #tpu.memory_space<semaphore_mem>>
    %dma_wait3A_49 = arith.constant 0 : i32
    %dma_wait3A_50 = arith.constant 0 : i32
    %dma_wait3A_51 = tpu.memref_slice %arg5[%dma_wait3A, %dma_wait3A_49, %dma_wait3A_50] : memref<2x8x200xi32, #tpu.memory_space<vmem>> -> memref<1x8x200xi32, #tpu.memory_space<vmem>>
    %dma_wait3A_52 = tpu.memref_squeeze %dma_wait3A_51 : memref<1x8x200xi32, #tpu.memory_space<vmem>> -> memref<8x200xi32, #tpu.memory_space<vmem>>
    %dma_wait3A_53 = arith.constant 0 : i32
    %dma_wait3A_54 = tpu.memref_slice %arg2[%add3A_39, %dma_wait3A_53] : memref<16384x200xi32, #tpu.memory_space<hbm>> -> memref<8x200xi32, #tpu.memory_space<hbm>>
    tpu.wait_dma2 semaphore(%dma_wait3A_48 : memref<!tpu.dma_semaphore, #tpu.memory_space<semaphore_mem>>) src(%dma_wait3A_54 : memref<8x200xi32, #tpu.memory_space<hbm>>) dst(%dma_wait3A_52 : memref<8x200xi32, #tpu.memory_space<vmem>>)
    %rem3A = arith.constant 0 : i32
    %rem3A_55 = arith.constant 2 : i32
    %rem3A_56 = arith.remsi %rem3A, %rem3A_55 : i32
    %rem3A_57 = arith.constant 0 : i32
    %rem3A_58 = arith.constant 8 : i32
    %rem3A_59 = arith.remsi %rem3A_57, %rem3A_58 : i32
    %dma_start3A_60 = arith.constant 0 : i32
    %dma_start3A_61 = arith.constant 0 : i32
    %dma_start3A_62 = arith.constant 0 : i32
    %dma_start3A_63 = arith.constant 0 : i32
    %dma_start3A_64 = tpu.memref_slice %arg6[%dma_start3A_60, %dma_start3A_62, %dma_start3A_63] : memref<3x128x128xf32, #tpu.memory_space<vmem>> -> memref<1x128x128xf32, #tpu.memory_space<vmem>>
    %dma_start3A_65 = tpu.memref_squeeze %dma_start3A_64 : memref<1x128x128xf32, #tpu.memory_space<vmem>> -> memref<128x128xf32, #tpu.memory_space<vmem>>
    %dma_start3A_66 = arith.constant 0 : i32
    %dma_start3A_67 = tpu.memref_slice %arg5[%rem3A_56, %rem3A_59, %dma_start3A_66] : memref<2x8x200xi32, #tpu.memory_space<vmem>> -> memref<1x1x128xi32, #tpu.memory_space<vmem>>
    %dma_start3A_68 = tpu.memref_squeeze %dma_start3A_67 : memref<1x1x128xi32, #tpu.memory_space<vmem>> -> memref<128xi32, #tpu.memory_space<vmem>>
    %dma_start3A_69 = arith.constant 0 : i32
    %dma_start3A_70 = arith.constant 0 : i32
    %dma_start3A_71 = tpu.memref_slice %arg3[%dma_start3A_69, %dma_start3A_70] : memref<1000000x128xf32, #tpu.memory_space<hbm>> -> memref<1000000x128xf32, #tpu.memory_space<hbm>>
    %dma_start3A_72 = tpu.memref_slice %arg8[%dma_start3A_61] : memref<3x!tpu.dma_semaphore, #tpu.memory_space<semaphore_mem>> -> memref<1x!tpu.dma_semaphore, #tpu.memory_space<semaphore_mem>>
    %dma_start3A_73 = tpu.memref_squeeze %dma_start3A_72 : memref<1x!tpu.dma_semaphore, #tpu.memory_space<semaphore_mem>> -> memref<!tpu.dma_semaphore, #tpu.memory_space<semaphore_mem>>
    tpu.enqueue_indirect_dma source(%dma_start3A_71 : memref<1000000x128xf32, #tpu.memory_space<hbm>>) target(%dma_start3A_65 : memref<128x128xf32, #tpu.memory_space<vmem>>) offsets(%dma_start3A_68 : memref<128xi32, #tpu.memory_space<vmem>>) semaphore(%dma_start3A_73 : memref<!tpu.dma_semaphore, #tpu.memory_space<semaphore_mem>>)
    %scan3A = arith.constant 0 : i32
    %scan3A_74 = arith.constant 0 : i32
    %scan3A_75 = arith.constant 1024 : i32
    %scan3A_76 = arith.addi %scan3A_74, %scan3A_75 : i32
    %scan3A_77 = arith.constant 1 : i32
    scf.for %scan3A_125 = %scan3A_74 to %scan3A_76 step %scan3A_77  : i32 {
      %rem3A_126 = arith.constant 2 : i32
      %rem3A_127 = arith.remsi %scan3A_125, %rem3A_126 : i32
      %eq3A = arith.constant 0 : i32
      %eq3A_128 = arith.cmpi eq, %rem3A_127, %eq3A : i32
      %convert_element_type3A = arith.extui %eq3A_128 : i1 to i32
      %cond3A = arith.constant 0 : i32
      %cond3A_129 = arith.cmpi ne, %convert_element_type3A, %cond3A : i32
      scf.if %cond3A_129 {
        %jit3A = arith.constant 2 : i32
        %div3A = arith.divsi %scan3A_125, %jit3A : i32
        %sign3A = arith.constant 0 : i32
        %sign3A_137 = arith.cmpi sgt, %scan3A_125, %sign3A : i32
        %sign3A_138 = arith.extui %sign3A_137 : i1 to i32
        %sign3A_139 = arith.constant 0 : i32
        %sign3A_140 = arith.cmpi slt, %scan3A_125, %sign3A_139 : i32
        %sign3A_141 = arith.extui %sign3A_140 : i1 to i32
        %sign3A_142 = arith.subi %sign3A_138, %sign3A_141 : i32
        %sign3A_143 = arith.constant 0 : i32
        %sign3A_144 = arith.cmpi sgt, %jit3A, %sign3A_143 : i32
        %sign3A_145 = arith.extui %sign3A_144 : i1 to i32
        %sign3A_146 = arith.constant 0 : i32
        %sign3A_147 = arith.cmpi slt, %jit3A, %sign3A_146 : i32
        %sign3A_148 = arith.extui %sign3A_147 : i1 to i32
        %sign3A_149 = arith.subi %sign3A_145, %sign3A_148 : i32
        %ne3A = arith.cmpi ne, %sign3A_142, %sign3A_149 : i32
        %rem3A_150 = arith.remsi %scan3A_125, %jit3A : i32
        %ne3A_151 = arith.constant 0 : i32
        %ne3A_152 = arith.cmpi ne, %rem3A_150, %ne3A_151 : i32
        %and3A = arith.andi %ne3A, %ne3A_152 : i1
        %sub3A = arith.constant 1 : i32
        %sub3A_153 = arith.subi %div3A, %sub3A : i32
        %select_n3A = arith.select %and3A, %sub3A_153, %div3A : i32
        %rem3A_154 = arith.constant 3 : i32
        %rem3A_155 = arith.remsi %scan3A_125, %rem3A_154 : i32
        %add3A_156 = arith.constant 1 : i32
        %add3A_157 = arith.addi %scan3A_125, %add3A_156 : i32
        %rem3A_158 = arith.constant 3 : i32
        %rem3A_159 = arith.remsi %add3A_157, %rem3A_158 : i32
        %ge3A = arith.constant 2 : i32
        %ge3A_160 = arith.cmpi sge, %scan3A_125, %ge3A : i32
        %convert_element_type3A_161 = arith.extui %ge3A_160 : i1 to i32
        %cond3A_162 = arith.constant 0 : i32
        %cond3A_163 = arith.cmpi ne, %convert_element_type3A_161, %cond3A_162 : i32
        scf.if %cond3A_163 {
          %sub3A_229 = arith.constant 1 : i32
          %sub3A_230 = arith.subi %select_n3A, %sub3A_229 : i32
          %add3A_231 = arith.addi %mul3A_2, %sub3A_230 : i32
          %dma_wait3A_232 = arith.constant 0 : i32
          %dma_wait3A_233 = arith.constant 0 : i32
          %dma_wait3A_234 = tpu.memref_slice %arg6[%rem3A_159, %dma_wait3A_232, %dma_wait3A_233] : memref<3x128x128xf32, #tpu.memory_space<vmem>> -> memref<1x128x128xf32, #tpu.memory_space<vmem>>
          %dma_wait3A_235 = tpu.memref_squeeze %dma_wait3A_234 : memref<1x128x128xf32, #tpu.memory_space<vmem>> -> memref<128x128xf32, #tpu.memory_space<vmem>>
          %dma_wait3A_236 = arith.constant 0 : i32
          %dma_wait3A_237 = arith.constant 0 : i32
          %dma_wait3A_238 = tpu.memref_slice %arg4[%add3A_231, %dma_wait3A_236, %dma_wait3A_237] : memref<16384x200x128xf32, #tpu.memory_space<hbm>> -> memref<1x128x128xf32, #tpu.memory_space<hbm>>
          %dma_wait3A_239 = tpu.memref_squeeze %dma_wait3A_238 : memref<1x128x128xf32, #tpu.memory_space<hbm>> -> memref<128x128xf32, #tpu.memory_space<hbm>>
          %dma_wait3A_240 = tpu.memref_slice %arg9[%rem3A_159] : memref<3x!tpu.dma_semaphore, #tpu.memory_space<semaphore_mem>> -> memref<1x!tpu.dma_semaphore, #tpu.memory_space<semaphore_mem>>
          %dma_wait3A_241 = tpu.memref_squeeze %dma_wait3A_240 : memref<1x!tpu.dma_semaphore, #tpu.memory_space<semaphore_mem>> -> memref<!tpu.dma_semaphore, #tpu.memory_space<semaphore_mem>>
          %dma_wait3A_242 = arith.constant 0 : i32
          %dma_wait3A_243 = arith.constant 0 : i32
          %dma_wait3A_244 = tpu.memref_slice %arg4[%add3A_231, %dma_wait3A_242, %dma_wait3A_243] : memref<16384x200x128xf32, #tpu.memory_space<hbm>> -> memref<1x128x128xf32, #tpu.memory_space<hbm>>
          %dma_wait3A_245 = tpu.memref_squeeze %dma_wait3A_244 : memref<1x128x128xf32, #tpu.memory_space<hbm>> -> memref<128x128xf32, #tpu.memory_space<hbm>>
          %dma_wait3A_246 = arith.constant 0 : i32
          %dma_wait3A_247 = arith.constant 0 : i32
          %dma_wait3A_248 = tpu.memref_slice %arg6[%rem3A_159, %dma_wait3A_246, %dma_wait3A_247] : memref<3x128x128xf32, #tpu.memory_space<vmem>> -> memref<1x128x128xf32, #tpu.memory_space<vmem>>
          %dma_wait3A_249 = tpu.memref_squeeze %dma_wait3A_248 : memref<1x128x128xf32, #tpu.memory_space<vmem>> -> memref<128x128xf32, #tpu.memory_space<vmem>>
          tpu.wait_dma2 semaphore(%dma_wait3A_241 : memref<!tpu.dma_semaphore, #tpu.memory_space<semaphore_mem>>) src(%dma_wait3A_249 : memref<128x128xf32, #tpu.memory_space<vmem>>) dst(%dma_wait3A_245 : memref<128x128xf32, #tpu.memory_space<hbm>>)
        } else {
        }
        %add3A_164 = arith.constant 1 : i32
        %add3A_165 = arith.addi %scan3A_125, %add3A_164 : i32
        %lt3A = arith.constant 1024 : i32
        %lt3A_166 = arith.cmpi slt, %add3A_165, %lt3A : i32
        %convert_element_type3A_167 = arith.extui %lt3A_166 : i1 to i32
        %cond3A_168 = arith.constant 0 : i32
        %cond3A_169 = arith.cmpi ne, %convert_element_type3A_167, %cond3A_168 : i32
        scf.if %cond3A_169 {
          %add3A_229 = arith.constant 0 : i32
          %add3A_230 = arith.addi %select_n3A, %add3A_229 : i32
          %jit3A_231 = arith.constant 8 : i32
          %div3A_232 = arith.divsi %add3A_230, %jit3A_231 : i32
          %sign3A_233 = arith.constant 0 : i32
          %sign3A_234 = arith.cmpi sgt, %add3A_230, %sign3A_233 : i32
          %sign3A_235 = arith.extui %sign3A_234 : i1 to i32
          %sign3A_236 = arith.constant 0 : i32
          %sign3A_237 = arith.cmpi slt, %add3A_230, %sign3A_236 : i32
          %sign3A_238 = arith.extui %sign3A_237 : i1 to i32
          %sign3A_239 = arith.subi %sign3A_235, %sign3A_238 : i32
          %sign3A_240 = arith.constant 0 : i32
          %sign3A_241 = arith.cmpi sgt, %jit3A_231, %sign3A_240 : i32
          %sign3A_242 = arith.extui %sign3A_241 : i1 to i32
          %sign3A_243 = arith.constant 0 : i32
          %sign3A_244 = arith.cmpi slt, %jit3A_231, %sign3A_243 : i32
          %sign3A_245 = arith.extui %sign3A_244 : i1 to i32
          %sign3A_246 = arith.subi %sign3A_242, %sign3A_245 : i32
          %ne3A_247 = arith.cmpi ne, %sign3A_239, %sign3A_246 : i32
          %rem3A_248 = arith.remsi %add3A_230, %jit3A_231 : i32
          %ne3A_249 = arith.constant 0 : i32
          %ne3A_250 = arith.cmpi ne, %rem3A_248, %ne3A_249 : i32
          %and3A_251 = arith.andi %ne3A_247, %ne3A_250 : i1
          %sub3A_252 = arith.constant 1 : i32
          %sub3A_253 = arith.subi %div3A_232, %sub3A_252 : i32
          %select_n3A_254 = arith.select %and3A_251, %sub3A_253, %div3A_232 : i32
          %rem3A_255 = arith.constant 2 : i32
          %rem3A_256 = arith.remsi %select_n3A_254, %rem3A_255 : i32
          %rem3A_257 = arith.constant 8 : i32
          %rem3A_258 = arith.remsi %add3A_230, %rem3A_257 : i32
          %dma_start3A_259 = arith.constant 0 : i32
          %dma_start3A_260 = arith.constant 0 : i32
          %dma_start3A_261 = tpu.memref_slice %arg6[%rem3A_159, %dma_start3A_259, %dma_start3A_260] : memref<3x128x128xf32, #tpu.memory_space<vmem>> -> memref<1x72x128xf32, #tpu.memory_space<vmem>>
          %dma_start3A_262 = tpu.memref_squeeze %dma_start3A_261 : memref<1x72x128xf32, #tpu.memory_space<vmem>> -> memref<72x128xf32, #tpu.memory_space<vmem>>
          %dma_start3A_263 = arith.constant 128 : i32
          %dma_start3A_264 = tpu.memref_slice %arg5[%rem3A_256, %rem3A_258, %dma_start3A_263] : memref<2x8x200xi32, #tpu.memory_space<vmem>> -> memref<1x1x72xi32, #tpu.memory_space<vmem>>
          %dma_start3A_265 = tpu.memref_squeeze %dma_start3A_264 : memref<1x1x72xi32, #tpu.memory_space<vmem>> -> memref<72xi32, #tpu.memory_space<vmem>>
          %dma_start3A_266 = arith.constant 0 : i32
          %dma_start3A_267 = arith.constant 0 : i32
          %dma_start3A_268 = tpu.memref_slice %arg3[%dma_start3A_266, %dma_start3A_267] : memref<1000000x128xf32, #tpu.memory_space<hbm>> -> memref<1000000x128xf32, #tpu.memory_space<hbm>>
          %dma_start3A_269 = tpu.memref_slice %arg8[%rem3A_159] : memref<3x!tpu.dma_semaphore, #tpu.memory_space<semaphore_mem>> -> memref<1x!tpu.dma_semaphore, #tpu.memory_space<semaphore_mem>>
          %dma_start3A_270 = tpu.memref_squeeze %dma_start3A_269 : memref<1x!tpu.dma_semaphore, #tpu.memory_space<semaphore_mem>> -> memref<!tpu.dma_semaphore, #tpu.memory_space<semaphore_mem>>
          tpu.enqueue_indirect_dma source(%dma_start3A_268 : memref<1000000x128xf32, #tpu.memory_space<hbm>>) target(%dma_start3A_262 : memref<72x128xf32, #tpu.memory_space<vmem>>) offsets(%dma_start3A_265 : memref<72xi32, #tpu.memory_space<vmem>>) semaphore(%dma_start3A_270 : memref<!tpu.dma_semaphore, #tpu.memory_space<semaphore_mem>>)
        } else {
        }
        %jit3A_170 = arith.constant 8 : i32
        %div3A_171 = arith.divsi %select_n3A, %jit3A_170 : i32
        %sign3A_172 = arith.constant 0 : i32
        %sign3A_173 = arith.cmpi sgt, %select_n3A, %sign3A_172 : i32
        %sign3A_174 = arith.extui %sign3A_173 : i1 to i32
        %sign3A_175 = arith.constant 0 : i32
        %sign3A_176 = arith.cmpi slt, %select_n3A, %sign3A_175 : i32
        %sign3A_177 = arith.extui %sign3A_176 : i1 to i32
        %sign3A_178 = arith.subi %sign3A_174, %sign3A_177 : i32
        %sign3A_179 = arith.constant 0 : i32
        %sign3A_180 = arith.cmpi sgt, %jit3A_170, %sign3A_179 : i32
        %sign3A_181 = arith.extui %sign3A_180 : i1 to i32
        %sign3A_182 = arith.constant 0 : i32
        %sign3A_183 = arith.cmpi slt, %jit3A_170, %sign3A_182 : i32
        %sign3A_184 = arith.extui %sign3A_183 : i1 to i32
        %sign3A_185 = arith.subi %sign3A_181, %sign3A_184 : i32
        %ne3A_186 = arith.cmpi ne, %sign3A_178, %sign3A_185 : i32
        %rem3A_187 = arith.remsi %select_n3A, %jit3A_170 : i32
        %ne3A_188 = arith.constant 0 : i32
        %ne3A_189 = arith.cmpi ne, %rem3A_187, %ne3A_188 : i32
        %and3A_190 = arith.andi %ne3A_186, %ne3A_189 : i1
        %sub3A_191 = arith.constant 1 : i32
        %sub3A_192 = arith.subi %div3A_171, %sub3A_191 : i32
        %select_n3A_193 = arith.select %and3A_190, %sub3A_192, %div3A_171 : i32
        %rem3A_194 = arith.constant 2 : i32
        %rem3A_195 = arith.remsi %select_n3A_193, %rem3A_194 : i32
        %rem3A_196 = arith.constant 8 : i32
        %rem3A_197 = arith.remsi %select_n3A, %rem3A_196 : i32
        %dma_wait3A_198 = arith.constant 0 : i32
        %dma_wait3A_199 = arith.constant 0 : i32
        %dma_wait3A_200 = tpu.memref_slice %arg6[%rem3A_155, %dma_wait3A_198, %dma_wait3A_199] : memref<3x128x128xf32, #tpu.memory_space<vmem>> -> memref<1x128x128xf32, #tpu.memory_space<vmem>>
        %dma_wait3A_201 = tpu.memref_squeeze %dma_wait3A_200 : memref<1x128x128xf32, #tpu.memory_space<vmem>> -> memref<128x128xf32, #tpu.memory_space<vmem>>
        %dma_wait3A_202 = arith.constant 0 : i32
        %dma_wait3A_203 = tpu.memref_slice %arg5[%rem3A_195, %rem3A_197, %dma_wait3A_202] : memref<2x8x200xi32, #tpu.memory_space<vmem>> -> memref<1x1x128xi32, #tpu.memory_space<vmem>>
        %dma_wait3A_204 = tpu.memref_squeeze %dma_wait3A_203 : memref<1x1x128xi32, #tpu.memory_space<vmem>> -> memref<128xi32, #tpu.memory_space<vmem>>
        %dma_wait3A_205 = arith.constant 0 : i32
        %dma_wait3A_206 = arith.constant 0 : i32
        %dma_wait3A_207 = tpu.memref_slice %arg3[%dma_wait3A_205, %dma_wait3A_206] : memref<1000000x128xf32, #tpu.memory_space<hbm>> -> memref<1000000x128xf32, #tpu.memory_space<hbm>>
        %dma_wait3A_208 = tpu.memref_slice %arg8[%rem3A_155] : memref<3x!tpu.dma_semaphore, #tpu.memory_space<semaphore_mem>> -> memref<1x!tpu.dma_semaphore, #tpu.memory_space<semaphore_mem>>
        %dma_wait3A_209 = tpu.memref_squeeze %dma_wait3A_208 : memref<1x!tpu.dma_semaphore, #tpu.memory_space<semaphore_mem>> -> memref<!tpu.dma_semaphore, #tpu.memory_space<semaphore_mem>>
        tpu.wait_indirect_dma semaphore(%dma_wait3A_209 : memref<!tpu.dma_semaphore, #tpu.memory_space<semaphore_mem>>) src(%dma_wait3A_207 : memref<1000000x128xf32, #tpu.memory_space<hbm>>) dst(%dma_wait3A_201 : memref<128x128xf32, #tpu.memory_space<vmem>>)
        %add3A_210 = arith.addi %mul3A_2, %select_n3A : i32
        %dma_start3A_211 = arith.constant 0 : i32
        %dma_start3A_212 = arith.constant 0 : i32
        %dma_start3A_213 = tpu.memref_slice %arg6[%rem3A_155, %dma_start3A_211, %dma_start3A_212] : memref<3x128x128xf32, #tpu.memory_space<vmem>> -> memref<1x128x128xf32, #tpu.memory_space<vmem>>
        %dma_start3A_214 = tpu.memref_squeeze %dma_start3A_213 : memref<1x128x128xf32, #tpu.memory_space<vmem>> -> memref<128x128xf32, #tpu.memory_space<vmem>>
        %dma_start3A_215 = arith.constant 0 : i32
        %dma_start3A_216 = arith.constant 0 : i32
        %dma_start3A_217 = tpu.memref_slice %arg4[%add3A_210, %dma_start3A_215, %dma_start3A_216] : memref<16384x200x128xf32, #tpu.memory_space<hbm>> -> memref<1x128x128xf32, #tpu.memory_space<hbm>>
        %dma_start3A_218 = tpu.memref_squeeze %dma_start3A_217 : memref<1x128x128xf32, #tpu.memory_space<hbm>> -> memref<128x128xf32, #tpu.memory_space<hbm>>
        %dma_start3A_219 = tpu.memref_slice %arg9[%rem3A_155] : memref<3x!tpu.dma_semaphore, #tpu.memory_space<semaphore_mem>> -> memref<1x!tpu.dma_semaphore, #tpu.memory_space<semaphore_mem>>
        %dma_start3A_220 = tpu.memref_squeeze %dma_start3A_219 : memref<1x!tpu.dma_semaphore, #tpu.memory_space<semaphore_mem>> -> memref<!tpu.dma_semaphore, #tpu.memory_space<semaphore_mem>>
        %dma_start3A_221 = arith.constant 0 : i32
        %dma_start3A_222 = arith.constant 0 : i32
        %dma_start3A_223 = tpu.memref_slice %arg4[%add3A_210, %dma_start3A_221, %dma_start3A_222] : memref<16384x200x128xf32, #tpu.memory_space<hbm>> -> memref<1x128x128xf32, #tpu.memory_space<hbm>>
        %dma_start3A_224 = tpu.memref_squeeze %dma_start3A_223 : memref<1x128x128xf32, #tpu.memory_space<hbm>> -> memref<128x128xf32, #tpu.memory_space<hbm>>
        %dma_start3A_225 = arith.constant 0 : i32
        %dma_start3A_226 = arith.constant 0 : i32
        %dma_start3A_227 = tpu.memref_slice %arg6[%rem3A_155, %dma_start3A_225, %dma_start3A_226] : memref<3x128x128xf32, #tpu.memory_space<vmem>> -> memref<1x128x128xf32, #tpu.memory_space<vmem>>
        %dma_start3A_228 = tpu.memref_squeeze %dma_start3A_227 : memref<1x128x128xf32, #tpu.memory_space<vmem>> -> memref<128x128xf32, #tpu.memory_space<vmem>>
        tpu.enqueue_dma source(%dma_start3A_228 : memref<128x128xf32, #tpu.memory_space<vmem>>) target(%dma_start3A_224 : memref<128x128xf32, #tpu.memory_space<hbm>>) target_semaphore(%dma_start3A_220 : memref<!tpu.dma_semaphore, #tpu.memory_space<semaphore_mem>>)
      } else {
      }
      %rem3A_130 = arith.constant 2 : i32
      %rem3A_131 = arith.remsi %scan3A_125, %rem3A_130 : i32
      %eq3A_132 = arith.constant 1 : i32
      %eq3A_133 = arith.cmpi eq, %rem3A_131, %eq3A_132 : i32
      %convert_element_type3A_134 = arith.extui %eq3A_133 : i1 to i32
      %cond3A_135 = arith.constant 0 : i32
      %cond3A_136 = arith.cmpi ne, %convert_element_type3A_134, %cond3A_135 : i32
      scf.if %cond3A_136 {
        %jit3A = arith.constant 2 : i32
        %div3A = arith.divsi %scan3A_125, %jit3A : i32
        %sign3A = arith.constant 0 : i32
        %sign3A_137 = arith.cmpi sgt, %scan3A_125, %sign3A : i32
        %sign3A_138 = arith.extui %sign3A_137 : i1 to i32
        %sign3A_139 = arith.constant 0 : i32
        %sign3A_140 = arith.cmpi slt, %scan3A_125, %sign3A_139 : i32
        %sign3A_141 = arith.extui %sign3A_140 : i1 to i32
        %sign3A_142 = arith.subi %sign3A_138, %sign3A_141 : i32
        %sign3A_143 = arith.constant 0 : i32
        %sign3A_144 = arith.cmpi sgt, %jit3A, %sign3A_143 : i32
        %sign3A_145 = arith.extui %sign3A_144 : i1 to i32
        %sign3A_146 = arith.constant 0 : i32
        %sign3A_147 = arith.cmpi slt, %jit3A, %sign3A_146 : i32
        %sign3A_148 = arith.extui %sign3A_147 : i1 to i32
        %sign3A_149 = arith.subi %sign3A_145, %sign3A_148 : i32
        %ne3A = arith.cmpi ne, %sign3A_142, %sign3A_149 : i32
        %rem3A_150 = arith.remsi %scan3A_125, %jit3A : i32
        %ne3A_151 = arith.constant 0 : i32
        %ne3A_152 = arith.cmpi ne, %rem3A_150, %ne3A_151 : i32
        %and3A = arith.andi %ne3A, %ne3A_152 : i1
        %sub3A = arith.constant 1 : i32
        %sub3A_153 = arith.subi %div3A, %sub3A : i32
        %select_n3A = arith.select %and3A, %sub3A_153, %div3A : i32
        %rem3A_154 = arith.constant 3 : i32
        %rem3A_155 = arith.remsi %scan3A_125, %rem3A_154 : i32
        %add3A_156 = arith.constant 1 : i32
        %add3A_157 = arith.addi %scan3A_125, %add3A_156 : i32
        %rem3A_158 = arith.constant 3 : i32
        %rem3A_159 = arith.remsi %add3A_157, %rem3A_158 : i32
        %ge3A = arith.constant 2 : i32
        %ge3A_160 = arith.cmpi sge, %scan3A_125, %ge3A : i32
        %convert_element_type3A_161 = arith.extui %ge3A_160 : i1 to i32
        %cond3A_162 = arith.constant 0 : i32
        %cond3A_163 = arith.cmpi ne, %convert_element_type3A_161, %cond3A_162 : i32
        scf.if %cond3A_163 {
          %sub3A_265 = arith.constant 1 : i32
          %sub3A_266 = arith.subi %select_n3A, %sub3A_265 : i32
          %add3A_267 = arith.addi %mul3A_2, %sub3A_266 : i32
          %dma_wait3A_268 = arith.constant 0 : i32
          %dma_wait3A_269 = arith.constant 0 : i32
          %dma_wait3A_270 = tpu.memref_slice %arg6[%rem3A_159, %dma_wait3A_268, %dma_wait3A_269] : memref<3x128x128xf32, #tpu.memory_space<vmem>> -> memref<1x72x128xf32, #tpu.memory_space<vmem>>
          %dma_wait3A_271 = tpu.memref_squeeze %dma_wait3A_270 : memref<1x72x128xf32, #tpu.memory_space<vmem>> -> memref<72x128xf32, #tpu.memory_space<vmem>>
          %dma_wait3A_272 = arith.constant 128 : i32
          %dma_wait3A_273 = arith.constant 0 : i32
          %dma_wait3A_274 = tpu.memref_slice %arg4[%add3A_267, %dma_wait3A_272, %dma_wait3A_273] : memref<16384x200x128xf32, #tpu.memory_space<hbm>> -> memref<1x72x128xf32, #tpu.memory_space<hbm>>
          %dma_wait3A_275 = tpu.memref_squeeze %dma_wait3A_274 : memref<1x72x128xf32, #tpu.memory_space<hbm>> -> memref<72x128xf32, #tpu.memory_space<hbm>>
          %dma_wait3A_276 = tpu.memref_slice %arg9[%rem3A_159] : memref<3x!tpu.dma_semaphore, #tpu.memory_space<semaphore_mem>> -> memref<1x!tpu.dma_semaphore, #tpu.memory_space<semaphore_mem>>
          %dma_wait3A_277 = tpu.memref_squeeze %dma_wait3A_276 : memref<1x!tpu.dma_semaphore, #tpu.memory_space<semaphore_mem>> -> memref<!tpu.dma_semaphore, #tpu.memory_space<semaphore_mem>>
          %dma_wait3A_278 = arith.constant 128 : i32
          %dma_wait3A_279 = arith.constant 0 : i32
          %dma_wait3A_280 = tpu.memref_slice %arg4[%add3A_267, %dma_wait3A_278, %dma_wait3A_279] : memref<16384x200x128xf32, #tpu.memory_space<hbm>> -> memref<1x72x128xf32, #tpu.memory_space<hbm>>
          %dma_wait3A_281 = tpu.memref_squeeze %dma_wait3A_280 : memref<1x72x128xf32, #tpu.memory_space<hbm>> -> memref<72x128xf32, #tpu.memory_space<hbm>>
          %dma_wait3A_282 = arith.constant 0 : i32
          %dma_wait3A_283 = arith.constant 0 : i32
          %dma_wait3A_284 = tpu.memref_slice %arg6[%rem3A_159, %dma_wait3A_282, %dma_wait3A_283] : memref<3x128x128xf32, #tpu.memory_space<vmem>> -> memref<1x72x128xf32, #tpu.memory_space<vmem>>
          %dma_wait3A_285 = tpu.memref_squeeze %dma_wait3A_284 : memref<1x72x128xf32, #tpu.memory_space<vmem>> -> memref<72x128xf32, #tpu.memory_space<vmem>>
          tpu.wait_dma2 semaphore(%dma_wait3A_277 : memref<!tpu.dma_semaphore, #tpu.memory_space<semaphore_mem>>) src(%dma_wait3A_285 : memref<72x128xf32, #tpu.memory_space<vmem>>) dst(%dma_wait3A_281 : memref<72x128xf32, #tpu.memory_space<hbm>>)
        } else {
        }
        %add3A_164 = arith.constant 1 : i32
        %add3A_165 = arith.addi %scan3A_125, %add3A_164 : i32
        %lt3A = arith.constant 1024 : i32
        %lt3A_166 = arith.cmpi slt, %add3A_165, %lt3A : i32
        %convert_element_type3A_167 = arith.extui %lt3A_166 : i1 to i32
        %cond3A_168 = arith.constant 0 : i32
        %cond3A_169 = arith.cmpi ne, %convert_element_type3A_167, %cond3A_168 : i32
        scf.if %cond3A_169 {
          %add3A_265 = arith.constant 1 : i32
          %add3A_266 = arith.addi %select_n3A, %add3A_265 : i32
          %rem3A_267 = arith.constant 8 : i32
          %rem3A_268 = arith.remsi %add3A_266, %rem3A_267 : i32
          %eq3A_269 = arith.constant 0 : i32
          %eq3A_270 = arith.cmpi eq, %rem3A_268, %eq3A_269 : i32
          %convert_element_type3A_271 = arith.extui %eq3A_270 : i1 to i32
          %cond3A_272 = arith.constant 0 : i32
          %cond3A_273 = arith.cmpi ne, %convert_element_type3A_271, %cond3A_272 : i32
          scf.if %cond3A_273 {
            %jit3A_314 = arith.constant 8 : i32
            %div3A_315 = arith.divsi %add3A_266, %jit3A_314 : i32
            %sign3A_316 = arith.constant 0 : i32
            %sign3A_317 = arith.cmpi sgt, %add3A_266, %sign3A_316 : i32
            %sign3A_318 = arith.extui %sign3A_317 : i1 to i32
            %sign3A_319 = arith.constant 0 : i32
            %sign3A_320 = arith.cmpi slt, %add3A_266, %sign3A_319 : i32
            %sign3A_321 = arith.extui %sign3A_320 : i1 to i32
            %sign3A_322 = arith.subi %sign3A_318, %sign3A_321 : i32
            %sign3A_323 = arith.constant 0 : i32
            %sign3A_324 = arith.cmpi sgt, %jit3A_314, %sign3A_323 : i32
            %sign3A_325 = arith.extui %sign3A_324 : i1 to i32
            %sign3A_326 = arith.constant 0 : i32
            %sign3A_327 = arith.cmpi slt, %jit3A_314, %sign3A_326 : i32
            %sign3A_328 = arith.extui %sign3A_327 : i1 to i32
            %sign3A_329 = arith.subi %sign3A_325, %sign3A_328 : i32
            %ne3A_330 = arith.cmpi ne, %sign3A_322, %sign3A_329 : i32
            %rem3A_331 = arith.remsi %add3A_266, %jit3A_314 : i32
            %ne3A_332 = arith.constant 0 : i32
            %ne3A_333 = arith.cmpi ne, %rem3A_331, %ne3A_332 : i32
            %and3A_334 = arith.andi %ne3A_330, %ne3A_333 : i1
            %sub3A_335 = arith.constant 1 : i32
            %sub3A_336 = arith.subi %div3A_315, %sub3A_335 : i32
            %select_n3A_337 = arith.select %and3A_334, %sub3A_336, %div3A_315 : i32
            %jit3A_338 = arith.constant 8 : i32
            %div3A_339 = arith.divsi %add3A_266, %jit3A_338 : i32
            %sign3A_340 = arith.constant 0 : i32
            %sign3A_341 = arith.cmpi sgt, %add3A_266, %sign3A_340 : i32
            %sign3A_342 = arith.extui %sign3A_341 : i1 to i32
            %sign3A_343 = arith.constant 0 : i32
            %sign3A_344 = arith.cmpi slt, %add3A_266, %sign3A_343 : i32
            %sign3A_345 = arith.extui %sign3A_344 : i1 to i32
            %sign3A_346 = arith.subi %sign3A_342, %sign3A_345 : i32
            %sign3A_347 = arith.constant 0 : i32
            %sign3A_348 = arith.cmpi sgt, %jit3A_338, %sign3A_347 : i32
            %sign3A_349 = arith.extui %sign3A_348 : i1 to i32
            %sign3A_350 = arith.constant 0 : i32
            %sign3A_351 = arith.cmpi slt, %jit3A_338, %sign3A_350 : i32
            %sign3A_352 = arith.extui %sign3A_351 : i1 to i32
            %sign3A_353 = arith.subi %sign3A_349, %sign3A_352 : i32
            %ne3A_354 = arith.cmpi ne, %sign3A_346, %sign3A_353 : i32
            %rem3A_355 = arith.remsi %add3A_266, %jit3A_338 : i32
            %ne3A_356 = arith.constant 0 : i32
            %ne3A_357 = arith.cmpi ne, %rem3A_355, %ne3A_356 : i32
            %and3A_358 = arith.andi %ne3A_354, %ne3A_357 : i1
            %sub3A_359 = arith.constant 1 : i32
            %sub3A_360 = arith.subi %div3A_339, %sub3A_359 : i32
            %select_n3A_361 = arith.select %and3A_358, %sub3A_360, %div3A_339 : i32
            %rem3A_362 = arith.constant 2 : i32
            %rem3A_363 = arith.remsi %select_n3A_361, %rem3A_362 : i32
            %mul3A_364 = arith.constant 8 : i32
            %mul3A_365 = arith.muli %select_n3A_337, %mul3A_364 : i32
            %add3A_366 = arith.addi %mul3A_2, %mul3A_365 : i32
            %dma_wait3A_367 = arith.constant 0 : i32
            %dma_wait3A_368 = arith.constant 0 : i32
            %dma_wait3A_369 = tpu.memref_slice %arg5[%rem3A_363, %dma_wait3A_367, %dma_wait3A_368] : memref<2x8x200xi32, #tpu.memory_space<vmem>> -> memref<1x8x200xi32, #tpu.memory_space<vmem>>
            %dma_wait3A_370 = tpu.memref_squeeze %dma_wait3A_369 : memref<1x8x200xi32, #tpu.memory_space<vmem>> -> memref<8x200xi32, #tpu.memory_space<vmem>>
            %dma_wait3A_371 = arith.constant 0 : i32
            %dma_wait3A_372 = tpu.memref_slice %arg2[%add3A_366, %dma_wait3A_371] : memref<16384x200xi32, #tpu.memory_space<hbm>> -> memref<8x200xi32, #tpu.memory_space<hbm>>
            %dma_wait3A_373 = tpu.memref_slice %arg7[%rem3A_363] : memref<2x!tpu.dma_semaphore, #tpu.memory_space<semaphore_mem>> -> memref<1x!tpu.dma_semaphore, #tpu.memory_space<semaphore_mem>>
            %dma_wait3A_374 = tpu.memref_squeeze %dma_wait3A_373 : memref<1x!tpu.dma_semaphore, #tpu.memory_space<semaphore_mem>> -> memref<!tpu.dma_semaphore, #tpu.memory_space<semaphore_mem>>
            %dma_wait3A_375 = arith.constant 0 : i32
            %dma_wait3A_376 = arith.constant 0 : i32
            %dma_wait3A_377 = tpu.memref_slice %arg5[%rem3A_363, %dma_wait3A_375, %dma_wait3A_376] : memref<2x8x200xi32, #tpu.memory_space<vmem>> -> memref<1x8x200xi32, #tpu.memory_space<vmem>>
            %dma_wait3A_378 = tpu.memref_squeeze %dma_wait3A_377 : memref<1x8x200xi32, #tpu.memory_space<vmem>> -> memref<8x200xi32, #tpu.memory_space<vmem>>
            %dma_wait3A_379 = arith.constant 0 : i32
            %dma_wait3A_380 = tpu.memref_slice %arg2[%add3A_366, %dma_wait3A_379] : memref<16384x200xi32, #tpu.memory_space<hbm>> -> memref<8x200xi32, #tpu.memory_space<hbm>>
            tpu.wait_dma2 semaphore(%dma_wait3A_374 : memref<!tpu.dma_semaphore, #tpu.memory_space<semaphore_mem>>) src(%dma_wait3A_380 : memref<8x200xi32, #tpu.memory_space<hbm>>) dst(%dma_wait3A_378 : memref<8x200xi32, #tpu.memory_space<vmem>>)
          } else {
          }
          %jit3A_274 = arith.constant 8 : i32
          %div3A_275 = arith.divsi %add3A_266, %jit3A_274 : i32
          %sign3A_276 = arith.constant 0 : i32
          %sign3A_277 = arith.cmpi sgt, %add3A_266, %sign3A_276 : i32
          %sign3A_278 = arith.extui %sign3A_277 : i1 to i32
          %sign3A_279 = arith.constant 0 : i32
          %sign3A_280 = arith.cmpi slt, %add3A_266, %sign3A_279 : i32
          %sign3A_281 = arith.extui %sign3A_280 : i1 to i32
          %sign3A_282 = arith.subi %sign3A_278, %sign3A_281 : i32
          %sign3A_283 = arith.constant 0 : i32
          %sign3A_284 = arith.cmpi sgt, %jit3A_274, %sign3A_283 : i32
          %sign3A_285 = arith.extui %sign3A_284 : i1 to i32
          %sign3A_286 = arith.constant 0 : i32
          %sign3A_287 = arith.cmpi slt, %jit3A_274, %sign3A_286 : i32
          %sign3A_288 = arith.extui %sign3A_287 : i1 to i32
          %sign3A_289 = arith.subi %sign3A_285, %sign3A_288 : i32
          %ne3A_290 = arith.cmpi ne, %sign3A_282, %sign3A_289 : i32
          %rem3A_291 = arith.remsi %add3A_266, %jit3A_274 : i32
          %ne3A_292 = arith.constant 0 : i32
          %ne3A_293 = arith.cmpi ne, %rem3A_291, %ne3A_292 : i32
          %and3A_294 = arith.andi %ne3A_290, %ne3A_293 : i1
          %sub3A_295 = arith.constant 1 : i32
          %sub3A_296 = arith.subi %div3A_275, %sub3A_295 : i32
          %select_n3A_297 = arith.select %and3A_294, %sub3A_296, %div3A_275 : i32
          %rem3A_298 = arith.constant 2 : i32
          %rem3A_299 = arith.remsi %select_n3A_297, %rem3A_298 : i32
          %rem3A_300 = arith.constant 8 : i32
          %rem3A_301 = arith.remsi %add3A_266, %rem3A_300 : i32
          %dma_start3A_302 = arith.constant 0 : i32
          %dma_start3A_303 = arith.constant 0 : i32
          %dma_start3A_304 = tpu.memref_slice %arg6[%rem3A_159, %dma_start3A_302, %dma_start3A_303] : memref<3x128x128xf32, #tpu.memory_space<vmem>> -> memref<1x128x128xf32, #tpu.memory_space<vmem>>
          %dma_start3A_305 = tpu.memref_squeeze %dma_start3A_304 : memref<1x128x128xf32, #tpu.memory_space<vmem>> -> memref<128x128xf32, #tpu.memory_space<vmem>>
          %dma_start3A_306 = arith.constant 0 : i32
          %dma_start3A_307 = tpu.memref_slice %arg5[%rem3A_299, %rem3A_301, %dma_start3A_306] : memref<2x8x200xi32, #tpu.memory_space<vmem>> -> memref<1x1x128xi32, #tpu.memory_space<vmem>>
          %dma_start3A_308 = tpu.memref_squeeze %dma_start3A_307 : memref<1x1x128xi32, #tpu.memory_space<vmem>> -> memref<128xi32, #tpu.memory_space<vmem>>
          %dma_start3A_309 = arith.constant 0 : i32
          %dma_start3A_310 = arith.constant 0 : i32
          %dma_start3A_311 = tpu.memref_slice %arg3[%dma_start3A_309, %dma_start3A_310] : memref<1000000x128xf32, #tpu.memory_space<hbm>> -> memref<1000000x128xf32, #tpu.memory_space<hbm>>
          %dma_start3A_312 = tpu.memref_slice %arg8[%rem3A_159] : memref<3x!tpu.dma_semaphore, #tpu.memory_space<semaphore_mem>> -> memref<1x!tpu.dma_semaphore, #tpu.memory_space<semaphore_mem>>
          %dma_start3A_313 = tpu.memref_squeeze %dma_start3A_312 : memref<1x!tpu.dma_semaphore, #tpu.memory_space<semaphore_mem>> -> memref<!tpu.dma_semaphore, #tpu.memory_space<semaphore_mem>>
          tpu.enqueue_indirect_dma source(%dma_start3A_311 : memref<1000000x128xf32, #tpu.memory_space<hbm>>) target(%dma_start3A_305 : memref<128x128xf32, #tpu.memory_space<vmem>>) offsets(%dma_start3A_308 : memref<128xi32, #tpu.memory_space<vmem>>) semaphore(%dma_start3A_313 : memref<!tpu.dma_semaphore, #tpu.memory_space<semaphore_mem>>)
        } else {
        }
        %jit3A_170 = arith.constant 8 : i32
        %div3A_171 = arith.divsi %select_n3A, %jit3A_170 : i32
        %sign3A_172 = arith.constant 0 : i32
        %sign3A_173 = arith.cmpi sgt, %select_n3A, %sign3A_172 : i32
        %sign3A_174 = arith.extui %sign3A_173 : i1 to i32
        %sign3A_175 = arith.constant 0 : i32
        %sign3A_176 = arith.cmpi slt, %select_n3A, %sign3A_175 : i32
        %sign3A_177 = arith.extui %sign3A_176 : i1 to i32
        %sign3A_178 = arith.subi %sign3A_174, %sign3A_177 : i32
        %sign3A_179 = arith.constant 0 : i32
        %sign3A_180 = arith.cmpi sgt, %jit3A_170, %sign3A_179 : i32
        %sign3A_181 = arith.extui %sign3A_180 : i1 to i32
        %sign3A_182 = arith.constant 0 : i32
        %sign3A_183 = arith.cmpi slt, %jit3A_170, %sign3A_182 : i32
        %sign3A_184 = arith.extui %sign3A_183 : i1 to i32
        %sign3A_185 = arith.subi %sign3A_181, %sign3A_184 : i32
        %ne3A_186 = arith.cmpi ne, %sign3A_178, %sign3A_185 : i32
        %rem3A_187 = arith.remsi %select_n3A, %jit3A_170 : i32
        %ne3A_188 = arith.constant 0 : i32
        %ne3A_189 = arith.cmpi ne, %rem3A_187, %ne3A_188 : i32
        %and3A_190 = arith.andi %ne3A_186, %ne3A_189 : i1
        %sub3A_191 = arith.constant 1 : i32
        %sub3A_192 = arith.subi %div3A_171, %sub3A_191 : i32
        %select_n3A_193 = arith.select %and3A_190, %sub3A_192, %div3A_171 : i32
        %rem3A_194 = arith.constant 2 : i32
        %rem3A_195 = arith.remsi %select_n3A_193, %rem3A_194 : i32
        %rem3A_196 = arith.constant 8 : i32
        %rem3A_197 = arith.remsi %select_n3A, %rem3A_196 : i32
        %dma_wait3A_198 = arith.constant 0 : i32
        %dma_wait3A_199 = arith.constant 0 : i32
        %dma_wait3A_200 = tpu.memref_slice %arg6[%rem3A_155, %dma_wait3A_198, %dma_wait3A_199] : memref<3x128x128xf32, #tpu.memory_space<vmem>> -> memref<1x72x128xf32, #tpu.memory_space<vmem>>
        %dma_wait3A_201 = tpu.memref_squeeze %dma_wait3A_200 : memref<1x72x128xf32, #tpu.memory_space<vmem>> -> memref<72x128xf32, #tpu.memory_space<vmem>>
        %dma_wait3A_202 = arith.constant 128 : i32
        %dma_wait3A_203 = tpu.memref_slice %arg5[%rem3A_195, %rem3A_197, %dma_wait3A_202] : memref<2x8x200xi32, #tpu.memory_space<vmem>> -> memref<1x1x72xi32, #tpu.memory_space<vmem>>
        %dma_wait3A_204 = tpu.memref_squeeze %dma_wait3A_203 : memref<1x1x72xi32, #tpu.memory_space<vmem>> -> memref<72xi32, #tpu.memory_space<vmem>>
        %dma_wait3A_205 = arith.constant 0 : i32
        %dma_wait3A_206 = arith.constant 0 : i32
        %dma_wait3A_207 = tpu.memref_slice %arg3[%dma_wait3A_205, %dma_wait3A_206] : memref<1000000x128xf32, #tpu.memory_space<hbm>> -> memref<1000000x128xf32, #tpu.memory_space<hbm>>
        %dma_wait3A_208 = tpu.memref_slice %arg8[%rem3A_155] : memref<3x!tpu.dma_semaphore, #tpu.memory_space<semaphore_mem>> -> memref<1x!tpu.dma_semaphore, #tpu.memory_space<semaphore_mem>>
        %dma_wait3A_209 = tpu.memref_squeeze %dma_wait3A_208 : memref<1x!tpu.dma_semaphore, #tpu.memory_space<semaphore_mem>> -> memref<!tpu.dma_semaphore, #tpu.memory_space<semaphore_mem>>
        tpu.wait_indirect_dma semaphore(%dma_wait3A_209 : memref<!tpu.dma_semaphore, #tpu.memory_space<semaphore_mem>>) src(%dma_wait3A_207 : memref<1000000x128xf32, #tpu.memory_space<hbm>>) dst(%dma_wait3A_201 : memref<72x128xf32, #tpu.memory_space<vmem>>)
        %add3A_210 = arith.addi %mul3A_2, %select_n3A : i32
        %dma_start3A_211 = arith.constant 0 : i32
        %dma_start3A_212 = arith.constant 0 : i32
        %dma_start3A_213 = tpu.memref_slice %arg6[%rem3A_155, %dma_start3A_211, %dma_start3A_212] : memref<3x128x128xf32, #tpu.memory_space<vmem>> -> memref<1x72x128xf32, #tpu.memory_space<vmem>>
        %dma_start3A_214 = tpu.memref_squeeze %dma_start3A_213 : memref<1x72x128xf32, #tpu.memory_space<vmem>> -> memref<72x128xf32, #tpu.memory_space<vmem>>
        %dma_start3A_215 = arith.constant 128 : i32
        %dma_start3A_216 = arith.constant 0 : i32
        %dma_start3A_217 = tpu.memref_slice %arg4[%add3A_210, %dma_start3A_215, %dma_start3A_216] : memref<16384x200x128xf32, #tpu.memory_space<hbm>> -> memref<1x72x128xf32, #tpu.memory_space<hbm>>
        %dma_start3A_218 = tpu.memref_squeeze %dma_start3A_217 : memref<1x72x128xf32, #tpu.memory_space<hbm>> -> memref<72x128xf32, #tpu.memory_space<hbm>>
        %dma_start3A_219 = tpu.memref_slice %arg9[%rem3A_155] : memref<3x!tpu.dma_semaphore, #tpu.memory_space<semaphore_mem>> -> memref<1x!tpu.dma_semaphore, #tpu.memory_space<semaphore_mem>>
        %dma_start3A_220 = tpu.memref_squeeze %dma_start3A_219 : memref<1x!tpu.dma_semaphore, #tpu.memory_space<semaphore_mem>> -> memref<!tpu.dma_semaphore, #tpu.memory_space<semaphore_mem>>
        %dma_start3A_221 = arith.constant 128 : i32
        %dma_start3A_222 = arith.constant 0 : i32
        %dma_start3A_223 = tpu.memref_slice %arg4[%add3A_210, %dma_start3A_221, %dma_start3A_222] : memref<16384x200x128xf32, #tpu.memory_space<hbm>> -> memref<1x72x128xf32, #tpu.memory_space<hbm>>
        %dma_start3A_224 = tpu.memref_squeeze %dma_start3A_223 : memref<1x72x128xf32, #tpu.memory_space<hbm>> -> memref<72x128xf32, #tpu.memory_space<hbm>>
        %dma_start3A_225 = arith.constant 0 : i32
        %dma_start3A_226 = arith.constant 0 : i32
        %dma_start3A_227 = tpu.memref_slice %arg6[%rem3A_155, %dma_start3A_225, %dma_start3A_226] : memref<3x128x128xf32, #tpu.memory_space<vmem>> -> memref<1x72x128xf32, #tpu.memory_space<vmem>>
        %dma_start3A_228 = tpu.memref_squeeze %dma_start3A_227 : memref<1x72x128xf32, #tpu.memory_space<vmem>> -> memref<72x128xf32, #tpu.memory_space<vmem>>
        tpu.enqueue_dma source(%dma_start3A_228 : memref<72x128xf32, #tpu.memory_space<vmem>>) target(%dma_start3A_224 : memref<72x128xf32, #tpu.memory_space<hbm>>) target_semaphore(%dma_start3A_220 : memref<!tpu.dma_semaphore, #tpu.memory_space<semaphore_mem>>)
        %jit3A_229 = arith.constant 8 : i32
        %div3A_230 = arith.divsi %select_n3A, %jit3A_229 : i32
        %sign3A_231 = arith.constant 0 : i32
        %sign3A_232 = arith.cmpi sgt, %select_n3A, %sign3A_231 : i32
        %sign3A_233 = arith.extui %sign3A_232 : i1 to i32
        %sign3A_234 = arith.constant 0 : i32
        %sign3A_235 = arith.cmpi slt, %select_n3A, %sign3A_234 : i32
        %sign3A_236 = arith.extui %sign3A_235 : i1 to i32
        %sign3A_237 = arith.subi %sign3A_233, %sign3A_236 : i32
        %sign3A_238 = arith.constant 0 : i32
        %sign3A_239 = arith.cmpi sgt, %jit3A_229, %sign3A_238 : i32
        %sign3A_240 = arith.extui %sign3A_239 : i1 to i32
        %sign3A_241 = arith.constant 0 : i32
        %sign3A_242 = arith.cmpi slt, %jit3A_229, %sign3A_241 : i32
        %sign3A_243 = arith.extui %sign3A_242 : i1 to i32
        %sign3A_244 = arith.subi %sign3A_240, %sign3A_243 : i32
        %ne3A_245 = arith.cmpi ne, %sign3A_237, %sign3A_244 : i32
        %rem3A_246 = arith.remsi %select_n3A, %jit3A_229 : i32
        %ne3A_247 = arith.constant 0 : i32
        %ne3A_248 = arith.cmpi ne, %rem3A_246, %ne3A_247 : i32
        %and3A_249 = arith.andi %ne3A_245, %ne3A_248 : i1
        %sub3A_250 = arith.constant 1 : i32
        %sub3A_251 = arith.subi %div3A_230, %sub3A_250 : i32
        %select_n3A_252 = arith.select %and3A_249, %sub3A_251, %div3A_230 : i32
        %rem3A_253 = arith.constant 8 : i32
        %rem3A_254 = arith.remsi %select_n3A, %rem3A_253 : i32
        %eq3A_255 = arith.constant 7 : i32
        %eq3A_256 = arith.cmpi eq, %rem3A_254, %eq3A_255 : i32
        %add3A_257 = arith.constant 2 : i32
        %add3A_258 = arith.addi %select_n3A_252, %add3A_257 : i32
        %lt3A_259 = arith.constant 64 : i32
        %lt3A_260 = arith.cmpi slt, %add3A_258, %lt3A_259 : i32
        %and3A_261 = arith.andi %eq3A_256, %lt3A_260 : i1
        %convert_element_type3A_262 = arith.extui %and3A_261 : i1 to i32
        %cond3A_263 = arith.constant 0 : i32
        %cond3A_264 = arith.cmpi ne, %convert_element_type3A_262, %cond3A_263 : i32
        scf.if %cond3A_264 {
          %add3A_265 = arith.constant 2 : i32
          %add3A_266 = arith.addi %select_n3A_252, %add3A_265 : i32
          %rem3A_267 = arith.constant 2 : i32
          %rem3A_268 = arith.remsi %select_n3A_252, %rem3A_267 : i32
          %mul3A_269 = arith.constant 8 : i32
          %mul3A_270 = arith.muli %add3A_266, %mul3A_269 : i32
          %add3A_271 = arith.addi %mul3A_2, %mul3A_270 : i32
          %dma_start3A_272 = arith.constant 0 : i32
          %dma_start3A_273 = arith.constant 0 : i32
          %dma_start3A_274 = tpu.memref_slice %arg5[%rem3A_268, %dma_start3A_272, %dma_start3A_273] : memref<2x8x200xi32, #tpu.memory_space<vmem>> -> memref<1x8x200xi32, #tpu.memory_space<vmem>>
          %dma_start3A_275 = tpu.memref_squeeze %dma_start3A_274 : memref<1x8x200xi32, #tpu.memory_space<vmem>> -> memref<8x200xi32, #tpu.memory_space<vmem>>
          %dma_start3A_276 = arith.constant 0 : i32
          %dma_start3A_277 = tpu.memref_slice %arg2[%add3A_271, %dma_start3A_276] : memref<16384x200xi32, #tpu.memory_space<hbm>> -> memref<8x200xi32, #tpu.memory_space<hbm>>
          %dma_start3A_278 = tpu.memref_slice %arg7[%rem3A_268] : memref<2x!tpu.dma_semaphore, #tpu.memory_space<semaphore_mem>> -> memref<1x!tpu.dma_semaphore, #tpu.memory_space<semaphore_mem>>
          %dma_start3A_279 = tpu.memref_squeeze %dma_start3A_278 : memref<1x!tpu.dma_semaphore, #tpu.memory_space<semaphore_mem>> -> memref<!tpu.dma_semaphore, #tpu.memory_space<semaphore_mem>>
          %dma_start3A_280 = arith.constant 0 : i32
          %dma_start3A_281 = arith.constant 0 : i32
          %dma_start3A_282 = tpu.memref_slice %arg5[%rem3A_268, %dma_start3A_280, %dma_start3A_281] : memref<2x8x200xi32, #tpu.memory_space<vmem>> -> memref<1x8x200xi32, #tpu.memory_space<vmem>>
          %dma_start3A_283 = tpu.memref_squeeze %dma_start3A_282 : memref<1x8x200xi32, #tpu.memory_space<vmem>> -> memref<8x200xi32, #tpu.memory_space<vmem>>
          %dma_start3A_284 = arith.constant 0 : i32
          %dma_start3A_285 = tpu.memref_slice %arg2[%add3A_271, %dma_start3A_284] : memref<16384x200xi32, #tpu.memory_space<hbm>> -> memref<8x200xi32, #tpu.memory_space<hbm>>
          tpu.enqueue_dma source(%dma_start3A_285 : memref<8x200xi32, #tpu.memory_space<hbm>>) target(%dma_start3A_283 : memref<8x200xi32, #tpu.memory_space<vmem>>) target_semaphore(%dma_start3A_279 : memref<!tpu.dma_semaphore, #tpu.memory_space<semaphore_mem>>)
        } else {
        }
      } else {
      }
    }
    %scan3A_78 = arith.constant 1024 : i32
    %rem3A_79 = arith.constant 1022 : i32
    %rem3A_80 = arith.constant 3 : i32
    %rem3A_81 = arith.remsi %rem3A_79, %rem3A_80 : i32
    %add3A_82 = arith.constant 511 : i32
    %add3A_83 = arith.addi %mul3A_2, %add3A_82 : i32
    %dma_wait3A_84 = arith.constant 0 : i32
    %dma_wait3A_85 = arith.constant 0 : i32
    %dma_wait3A_86 = tpu.memref_slice %arg6[%rem3A_81, %dma_wait3A_84, %dma_wait3A_85] : memref<3x128x128xf32, #tpu.memory_space<vmem>> -> memref<1x128x128xf32, #tpu.memory_space<vmem>>
    %dma_wait3A_87 = tpu.memref_squeeze %dma_wait3A_86 : memref<1x128x128xf32, #tpu.memory_space<vmem>> -> memref<128x128xf32, #tpu.memory_space<vmem>>
    %dma_wait3A_88 = arith.constant 0 : i32
    %dma_wait3A_89 = arith.constant 0 : i32
    %dma_wait3A_90 = tpu.memref_slice %arg4[%add3A_83, %dma_wait3A_88, %dma_wait3A_89] : memref<16384x200x128xf32, #tpu.memory_space<hbm>> -> memref<1x128x128xf32, #tpu.memory_space<hbm>>
    %dma_wait3A_91 = tpu.memref_squeeze %dma_wait3A_90 : memref<1x128x128xf32, #tpu.memory_space<hbm>> -> memref<128x128xf32, #tpu.memory_space<hbm>>
    %dma_wait3A_92 = tpu.memref_slice %arg9[%rem3A_81] : memref<3x!tpu.dma_semaphore, #tpu.memory_space<semaphore_mem>> -> memref<1x!tpu.dma_semaphore, #tpu.memory_space<semaphore_mem>>
    %dma_wait3A_93 = tpu.memref_squeeze %dma_wait3A_92 : memref<1x!tpu.dma_semaphore, #tpu.memory_space<semaphore_mem>> -> memref<!tpu.dma_semaphore, #tpu.memory_space<semaphore_mem>>
    %dma_wait3A_94 = arith.constant 0 : i32
    %dma_wait3A_95 = arith.constant 0 : i32
    %dma_wait3A_96 = tpu.memref_slice %arg4[%add3A_83, %dma_wait3A_94, %dma_wait3A_95] : memref<16384x200x128xf32, #tpu.memory_space<hbm>> -> memref<1x128x128xf32, #tpu.memory_space<hbm>>
    %dma_wait3A_97 = tpu.memref_squeeze %dma_wait3A_96 : memref<1x128x128xf32, #tpu.memory_space<hbm>> -> memref<128x128xf32, #tpu.memory_space<hbm>>
    %dma_wait3A_98 = arith.constant 0 : i32
    %dma_wait3A_99 = arith.constant 0 : i32
    %dma_wait3A_100 = tpu.memref_slice %arg6[%rem3A_81, %dma_wait3A_98, %dma_wait3A_99] : memref<3x128x128xf32, #tpu.memory_space<vmem>> -> memref<1x128x128xf32, #tpu.memory_space<vmem>>
    %dma_wait3A_101 = tpu.memref_squeeze %dma_wait3A_100 : memref<1x128x128xf32, #tpu.memory_space<vmem>> -> memref<128x128xf32, #tpu.memory_space<vmem>>
    tpu.wait_dma2 semaphore(%dma_wait3A_93 : memref<!tpu.dma_semaphore, #tpu.memory_space<semaphore_mem>>) src(%dma_wait3A_101 : memref<128x128xf32, #tpu.memory_space<vmem>>) dst(%dma_wait3A_97 : memref<128x128xf32, #tpu.memory_space<hbm>>)
    %rem3A_102 = arith.constant 1023 : i32
    %rem3A_103 = arith.constant 3 : i32
    %rem3A_104 = arith.remsi %rem3A_102, %rem3A_103 : i32
    %add3A_105 = arith.constant 511 : i32
    %add3A_106 = arith.addi %mul3A_2, %add3A_105 : i32
    %dma_wait3A_107 = arith.constant 0 : i32
    %dma_wait3A_108 = arith.constant 0 : i32
    %dma_wait3A_109 = tpu.memref_slice %arg6[%rem3A_104, %dma_wait3A_107, %dma_wait3A_108] : memref<3x128x128xf32, #tpu.memory_space<vmem>> -> memref<1x72x128xf32, #tpu.memory_space<vmem>>
    %dma_wait3A_110 = tpu.memref_squeeze %dma_wait3A_109 : memref<1x72x128xf32, #tpu.memory_space<vmem>> -> memref<72x128xf32, #tpu.memory_space<vmem>>
    %dma_wait3A_111 = arith.constant 128 : i32
    %dma_wait3A_112 = arith.constant 0 : i32
    %dma_wait3A_113 = tpu.memref_slice %arg4[%add3A_106, %dma_wait3A_111, %dma_wait3A_112] : memref<16384x200x128xf32, #tpu.memory_space<hbm>> -> memref<1x72x128xf32, #tpu.memory_space<hbm>>
    %dma_wait3A_114 = tpu.memref_squeeze %dma_wait3A_113 : memref<1x72x128xf32, #tpu.memory_space<hbm>> -> memref<72x128xf32, #tpu.memory_space<hbm>>
    %dma_wait3A_115 = tpu.memref_slice %arg9[%rem3A_104] : memref<3x!tpu.dma_semaphore, #tpu.memory_space<semaphore_mem>> -> memref<1x!tpu.dma_semaphore, #tpu.memory_space<semaphore_mem>>
    %dma_wait3A_116 = tpu.memref_squeeze %dma_wait3A_115 : memref<1x!tpu.dma_semaphore, #tpu.memory_space<semaphore_mem>> -> memref<!tpu.dma_semaphore, #tpu.memory_space<semaphore_mem>>
    %dma_wait3A_117 = arith.constant 128 : i32
    %dma_wait3A_118 = arith.constant 0 : i32
    %dma_wait3A_119 = tpu.memref_slice %arg4[%add3A_106, %dma_wait3A_117, %dma_wait3A_118] : memref<16384x200x128xf32, #tpu.memory_space<hbm>> -> memref<1x72x128xf32, #tpu.memory_space<hbm>>
    %dma_wait3A_120 = tpu.memref_squeeze %dma_wait3A_119 : memref<1x72x128xf32, #tpu.memory_space<hbm>> -> memref<72x128xf32, #tpu.memory_space<hbm>>
    %dma_wait3A_121 = arith.constant 0 : i32
    %dma_wait3A_122 = arith.constant 0 : i32
    %dma_wait3A_123 = tpu.memref_slice %arg6[%rem3A_104, %dma_wait3A_121, %dma_wait3A_122] : memref<3x128x128xf32, #tpu.memory_space<vmem>> -> memref<1x72x128xf32, #tpu.memory_space<vmem>>
    %dma_wait3A_124 = tpu.memref_squeeze %dma_wait3A_123 : memref<1x72x128xf32, #tpu.memory_space<vmem>> -> memref<72x128xf32, #tpu.memory_space<vmem>>
    tpu.wait_dma2 semaphore(%dma_wait3A_116 : memref<!tpu.dma_semaphore, #tpu.memory_space<semaphore_mem>>) src(%dma_wait3A_124 : memref<72x128xf32, #tpu.memory_space<vmem>>) dst(%dma_wait3A_120 : memref<72x128xf32, #tpu.memory_space<hbm>>)
    return
  }
}

</mosaic_0001>

<sc_bundles>
// kernel: kernel.3.cloned.1.call-start
scs
__scs_entry_jumppad:
0x0: {  	(pc) =	sbr.rel $0x88, $3  }
0x1: {  	(tag) =	ssettag $0x0;
	lr =	simm.s32 $0x1  }
0x2: {  	[smem:$0x3F9F] =	sst lr;
	_ =	strace $0xD0000000  }
0x3: {  	_ = 	snop  }
0x4: {  	_ = 	snop  }
0x5: {  	_ = 	snop  }
0x6: {  	_ = 	snop  }
0x7: {  	_ = 	snop  }
__scs_overlays_trampoline_lowered:
0x8: {  	[smem:$0x3FAE] =	sst s0  }
0x9: {  	[smem:$0x3FAF] =	sst s1  }
0xa: {  	[smem:$0x3FB0] =	sst s2  }
0xb: {  	[smem:$0x3FB1] =	sst s3  }
0xc: {  	[smem:$0x3FB2] =	sst s4  }
0xd: {  	[smem:$0x3FB3] =	sst s5  }
0xe: {  	[smem:$0x3FB4] =	sst s6  }
0xf: {  	[smem:$0x3FB5] =	sst s7  }
0x10: {  	[smem:$0x3FB6] =	sst s8  }
0x11: {  	[smem:$0x3FB7] =	sst s9;
	s0 =	simm.s32 @!p0 $0x0  }
0x12: {  	s1 =	sld [smem:$0x3F9D];
	s0 =	simm.s32 @p0 $0x1  }
0x13: {  	[smem:$0x3FB8] =	sst s0;
	s0 =	simm.s32 @!p1 $0x0  }
0x14: {  	s2 =	sld [smem:$0x3F9C];
	s0 =	simm.s32 @p1 $0x1  }
0x15: {  	[smem:$0x3FB9] =	sst s0;
	s0 =	simm.s32 @!p2 $0x0  }
0x16: {  	s3 =	sld [smem:$0x3FDB];
	s0 =	simm.s32 @p2 $0x1  }
0x17: {  	s4 =	simm.s32 $0x1BF5;
	[smem:$0x3FBB] =	sst s0  }
0x18: {  	s0 =	sld [smem:$0x3F9E];
	_ =	swait.ge [sflag:s4], $0x0  }
0x19: {  	s7 =	sld [smem:$0x3F9F]  }
0x1a: {  	s8 =	sadd.s32 $0xFFFFE003, lr  }
0x1b: {  	s9 =	sadd.s32 $0xFFFFFEF7, lr;
	s5 =	simm.s32 $0xFFFFFFFF;
	p2 =	slt.u32 s8, $0xFFFFF086  }
0x1c: {  	p1 =	slt.u32 s9, $0xF7A;
	s5 =	simm.s32 @!p2 $0x0  }
0x1d: {  	s5 =	simm.s32 @p1 $0x1;
	p0 =	seq.s32 s7, s2  }
0x1e: {  	s7 =	smul.u32 @!p0 $0xF7A, s2;
	p2 =	seq.s32 @!p0 s5, $0x0  }
0x1f: {  	s9 =	smul.u32 $0xF7A, s1;
	s8 =	simm.s32 @!p0 $0x1BF5;
	p2 =	por !p2, p0  }
0x20: {  	[sflag:s8] =	ssyncset.s32 @!p0 $0xFFFFF086;
	s6 =	sadd.s32 @!p0 s3, s7;
	s7 =	simm.s32 @!p0 $0x108  }
0x21: {  	s3 =	sadd.s32 s3, s9;
	s6 =	sadd.s32 @!p0 $0x88, s6;
	s7 =	simm.s32 @p2 $0x1082  }
0x22: {  	[simem:s7], [sflag:s8] =	dma.local @!p0 [hbm:s6], $0xF7A  }
0x23: {  	s9 =	sor.u32 $0xD0000000, s2;
	s6 =	simm.s32 $0x108;
	_ =	swait.ge @!p0 [sflag:s8], $0x0  }
0x24: {  	s3 =	sadd.s32 $0x88, s3;
	s6 =	simm.s32 @!p1 $0x1082;
	[sflag:s4] =	ssyncset.s32 $0xFFFFF086  }
0x25: {  	[simem:s6], [sflag:s4] =	dma.local [hbm:s3], $0xF7A  }
0x26: {  	[smem:$0x3F9F] =	sst s1;
	(tag) =	ssettag s2;
	_ =	strace s9  }
0x27: {  	s1 =	sld [smem:$0x3FAF]  }
0x28: {  	s2 =	sld [smem:$0x3FB0]  }
0x29: {  	s4 =	sld [smem:$0x3FB2]  }
0x2a: {  	p0 =	seq.s32 s5, $0x0;
	s5 =	sld [smem:$0x3FB3]  }
0x2b: {  	s6 =	sld [smem:$0x3FB4]  }
0x2c: {  	s7 =	sld [smem:$0x3FB5]  }
0x2d: {  	s3 =	simm.s32 $0x108;
	s8 =	sld [smem:$0x3FB6]  }
0x2e: {  	s3 =	simm.s32 @!p0 $0x1082;
	s9 =	sld [smem:$0x3FB7]  }
0x2f: {  	lr =	sadd.s32 s0, s3;
	s0 =	sld [smem:$0x3FAE]  }
0x30: {  	s3 =	sld [smem:$0x3FB1]  }
0x31: {  	[smem:$0x3FBA] =	sst s10  }
0x32: {  	s10 =	sld [smem:$0x3FB8];
	_ =	sdelay $0x3  }
0x33: {  	p0 =	seq.s32 s10, $0x1;
	s10 =	sld [smem:$0x3FBA];
	_ =	sdelay $0x3  }
0x34: {  	[smem:$0x3FBA] =	sst s10  }
0x35: {  	s10 =	sld [smem:$0x3FB9];
	_ =	sdelay $0x3  }
0x36: {  	p1 =	seq.s32 s10, $0x1;
	s10 =	sld [smem:$0x3FBA];
	_ =	sdelay $0x3  }
0x37: {  	[smem:$0x3FBA] =	sst s10  }
0x38: {  	s10 =	sld [smem:$0x3FBB]  }
0x39: {  	_ = 	snop;
	(pc) =	sbr.ind lr, $3  }
0x3a: {  	_ = 	snop  }
0x3b: {  	_ = 	snop  }
0x3c: {  	p2 =	seq.s32 s10, $0x1;
	s10 =	sld [smem:$0x3FBA]  }
0x3d: {  	_ =	shalt  }
0x3e: {  	_ =	shalt  }
0x3f: {  	_ =	shalt  }
0x40: {  	_ =	shalt  }
0x41: {  	_ =	shalt  }
0x42: {  	_ =	shalt  }
0x43: {  	_ =	shalt  }
0x44: {  	_ =	shalt  }
0x45: {  	_ =	shalt  }
0x46: {  	_ =	shalt  }
0x47: {  	_ =	shalt  }
0x48: {  	_ =	shalt  }
0x49: {  	_ =	shalt  }
0x4a: {  	_ =	shalt  }
0x4b: {  	_ =	shalt  }
0x4c: {  	_ =	shalt  }
0x4d: {  	_ =	shalt  }
0x4e: {  	_ =	shalt  }
0x4f: {  	_ =	shalt  }
0x50: {  	_ =	shalt  }
0x51: {  	_ =	shalt  }
0x52: {  	_ =	shalt  }
0x53: {  	_ =	shalt  }
0x54: {  	_ =	shalt  }
0x55: {  	_ =	shalt  }
0x56: {  	_ =	shalt  }
0x57: {  	_ =	shalt  }
0x58: {  	_ =	shalt  }
0x59: {  	_ =	shalt  }
0x5a: {  	_ =	shalt  }
0x5b: {  	_ =	shalt  }
0x5c: {  	_ =	shalt  }
0x5d: {  	_ =	shalt  }
0x5e: {  	_ =	shalt  }
0x5f: {  	_ =	shalt  }
0x60: {  	_ =	shalt  }
0x61: {  	_ =	shalt  }
0x62: {  	_ =	shalt  }
0x63: {  	_ =	shalt  }
0x64: {  	_ =	shalt  }
0x65: {  	_ =	shalt  }
0x66: {  	_ =	shalt  }
0x67: {  	_ =	shalt  }
0x68: {  	_ =	shalt  }
0x69: {  	_ =	shalt  }
0x6a: {  	_ =	shalt  }
0x6b: {  	_ =	shalt  }
0x6c: {  	_ =	shalt  }
0x6d: {  	_ =	shalt  }
0x6e: {  	_ =	shalt  }
0x6f: {  	_ =	shalt  }
0x70: {  	_ =	shalt  }
0x71: {  	_ =	shalt  }
0x72: {  	_ =	shalt  }
0x73: {  	_ =	shalt  }
0x74: {  	_ =	shalt  }
0x75: {  	_ =	shalt  }
0x76: {  	_ =	shalt  }
0x77: {  	_ =	shalt  }
0x78: {  	_ =	shalt  }
0x79: {  	_ =	shalt  }
0x7a: {  	_ =	shalt  }
0x7b: {  	_ =	shalt  }
0x7c: {  	_ =	shalt  }
0x7d: {  	_ =	shalt  }
0x7e: {  	_ =	shalt  }
0x7f: {  	_ =	shalt  }
0x80: {  	_ =	shalt  }
0x81: {  	_ =	shalt  }
0x82: {  	_ =	shalt  }
0x83: {  	_ =	shalt  }
0x84: {  	_ =	shalt  }
0x85: {  	_ =	shalt  }
0x86: {  	_ =	shalt  }
0x87: {  	_ =	shalt  }
.Lfunc_end0:
.L_simem_size_0:
called_computation.1_lowered:
.L_overlay_start_0:
0x88: {  	s2 =	sld [smem:$0x3FD9]  }
0x89: {  	s3 =	sld [smem:$0x3FFE];
	_ =	sdelay $0x1  }
0x8a: {  	s1 =	srdreg.scid  }
0x8b: {  	s0 =	sand.u32 $0x1, s1  }
0x8c: {  	s16 =	sshll.u32 s0, $0xA;
	s2 =	sadd.s32 s3, s2  }
0x8d: {  	s2 =	sadd.s32 s2, s16  }
0x8e: {  	[smem:$0x3FC6] =	sst s2  }
0x8f: {  	_ = 	snop  }
0x90: {  	(tm) =	ssettm $0x1  }
0x91: {  	s17 =	sld [smem:$0x3FFB];
	_ =	sdelay $0x3  }
0x92: {  	_ =	strace s17  }
0x93: {  	s2 =	sld [smem:$0x3FFC];
	_ =	sdelay $0x3  }
0x94: {  	_ =	strace s2  }
0x95: {  	s2 =	sld [smem:$0x3FFD];
	_ =	sdelay $0x3  }
0x96: {  	_ =	strace s2  }
0x97: {  	_ =	strace $0x8FFFFFFF  }
0x98: {  	s18 =	sld [smem:$0x3FDB];
	_ =	sdelay $0x1  }
0x99: {  	s19 =	simm.s32 $_scs_section_size  }
0x9a: {  	s4 =	simm.s32 $_size__tile_overlayer_lowered;
	s5 =	simm.s32 $_tile_overlayer_lowered  }
0x9b: {  	s22 =	simm.s32 $0x1BFF;
	s21 =	sshll.u32 s5, $0x1;
	s2 =	sadd.s32 s19, s18  }
0x9c: {  	s6 =	simm.s32 $0x0;
	s20 =	sshll.u32 s4, $0x1;
	s4 =	sadd.s32 s21, s2  }
0x9d: {  	[timem:s6], [sflag:s22] =	dma.local [hbm:s4], s20  }
0x9e: {  	_ =	swait.ge [sflag:s22], s20  }
0x9f: {  	s3 =	ssub.s32 $0x0, s20;
	[sflag:s22] =	ssyncset.done $0x0  }
0xa0: {  	[sflag:s22] =	ssyncadd.s32 s3;
	_ =	sdelay $0x1  }
0xa1: {  	s23 =	simm.s32 $0x1B8B  }
0xa2: {  	_ =	swait.ge [sflag:s23], $0x1  }
0xa3: {  	[sflag:s23] =	ssyncset.done $0x0  }
0xa4: {  	s25 =	simm.s32 $0x1B8E;
	s24 =	sld [smem:$0x3FFE];
	[sflag:s23] =	ssyncadd.s32 $0xFFFFFFFF  }
0xa5: {  	s26 =	simm.s32 $execute0_lowered;
	[smem:$0x3FD2] =	sst s25  }
0xa6: {  	s4 =	sshll.u32 s26, $0x1;
	_ =	strace $0x80000046;
	[dreg:$0x1] =	wrdreg $0xFFFFFFFF  }
0xa7: {  	s28 =	simm.s32 $_size_execute0_lowered;
	s2 =	sadd.s32 s2, s4;
	[dreg:$0x0] =	wrdreg $0x0  }
0xa8: {  	s4 =	sshll.u32 s28, $0x1;
	[dreg:$0x2] =	wrdreg s2  }
0xa9: {  	[dreg:$0x3] =	wrdreg s4  }
0xaa: {  	[dreg:$0x4] =	wrdreg $0xC0  }
0xab: {  	_ =	task [dreg:s6], $0x5FFFF  }
0xac: {  	[dreg:$0x1] =	wrdreg $0xFFFFFFFF  }
0xad: {  	[dreg:$0x0] =	wrdreg $0x60  }
0xae: {  	[dreg:$0x2] =	wrdreg s24  }
0xaf: {  	[dreg:$0x3] =	wrdreg $0x9  }
0xb0: {  	_ =	task.clear_ibuf [dreg:s6], $0x4FFFF;
	_ =	strace $0x90000046  }
0xb1: {  	s29 =	simm.s32 $0x9;
	_ =	strace $0x80000048  }
0xb2: {  	_ =	swait.ge [sflag:s29], $0x1  }
0xb3: {  	[sflag:s29] =	ssyncadd.s32 $0xFFFFFFFF  }
0xb4: {  	_ =	strace $0x90000048  }
0xb5: {  	_ =	sfence  }
0xb6: {  	s30 =	sld [smem:$0x0];
	_ =	sdelay $0x2  }
0xb7: {  	s31 =	sshll.u32 s1, $0xD;
	s1 =	sshrl.u32 s1, $0x2  }
0xb8: {  	s3 =	sand.u32 $0x4000, s31;
	s1 =	sadd.s32 s1, s30  }
0xb9: {  	s0 =	sor.u32 s3, s0;
	s1 =	sshll.u32 s1, $0x11  }
0xba: {  	s0 =	sor.u32 s1, s0  }
0xbb: {  	s0 =	sadd.s32 $0x8F2B, s0  }
0xbc: {  	[sflag:s0] =	ssyncadd.remote.s32 $0x1  }
0xbd: {  	_ =	sfence.sel $0xFFFF  }
0xbe: {  	[dreg:$0x0] =	wrdreg $0xFFFFFFFF;
	(pc) =	sbr.abs _section_cstart, $3  }
0xbf: {  	[dreg:$0x1] =	wrdreg $0xFFFFFFFF  }
0xc0: {  	_ =	task.clear_ibuf [dreg:s6], $0x2FFFF;
	_ =	strace $0x9FFFFFFF  }
0xc1: {  	(tm) =	ssettm $0x7FFFFFFF  }
tec
execute0_lowered:
.L_overlay_start_1:
0x0: {  	(tag) =	ssettag $0x1  }
0x1: {  	s1 =	srdreg.scid  }
0x2: {  	s0 =	stileid.u32;
	s5 =	rddreg [dreg:$0x0];
	s2 =	simm.s32 $0x0  }
0x3: {  	s10 =	simm.s32 $0x800;
	s11 =	simm.s32 $0x1;
	s12 =	simm.s32 $0x80  }
0x4: {  	s13 =	simm.s32 $0x1000;
	s14 =	simm.s32 $0x8;
	s15 =	simm.s32 $0x6  }
0x5: {  	s16 =	simm.s32 $0x48;
	s4 =	sand.u32 $0x1, s1;
	s1 =	rddreg [dreg:$0x1]  }
0x6: {  	s17 =	simm.s32 $0x0;
	s3 =	sshll.u32 s0, $0xA;
	[smem:$0x7FF] =	sst s2  }
.Ltmp0:
0x7: {  	s6 =	sshll.u32 s4, $0x9;
	s7 =	ssub.s32 $0x2, s4;
	(pc) =	sbr.rel .LBB2_1-.Ltmp0, $4  }
0x8: {  	_ =	strace $0x80000047;
	s3 =	sor.u32 s6, s3;
	s31 =	sshrl.u32 s7, $0x1  }
0x9: {  	s4 =	sadd.s32 $0x80800, s5;
	s6 =	sshll.u32 s3, $0x5;
	s8 =	ssub.s32 s7, s31  }
0xa: {  	s9 =	sadd.s32 s6, s5;
	s5 =	sadd.s32 $0xFC2C00, s5;
	s8 =	smax.u32 s8, $0x1  }
0xb: {  	s6 =	sadd.s32 $0x800, s9;
	s7 =	sadd.s32 $0x900, s9;
	s9 =	sadd.s32 $0xA00, s9  }
.LBB2_8:
0xc: {  	s17 =	sadd.s32 $0x1, s17  }
0xd: {  	_ =	swait.ge [sflag:s14], $0x4000;
	p0 =	sne.s32 s17, s8  }
.Ltmp1:
0xe: {  	[sflag:s14] =	ssyncset.done $0x0;
	(pc) =	sbr.rel @!p0 .LBB2_9-.Ltmp1, $4  }
0xf: {  	[sflag:s14] =	ssyncadd.s32 $0xFFFFC000  }
0x10: {  	_ =	swait.ge [sflag:s15], $0x2400  }
0x11: {  	[sflag:s15] =	ssyncset.done $0x0  }
0x12: {  	[sflag:s15] =	ssyncadd.s32 $0xFFFFDC00  }
.LBB2_1:
0x13: {  	[tilespmem:s2], [sflag:$0x1] =	stream.linear.gather [hbm4b:s6+s2], $0x800, $0x38;
	[tilespmem:$0xD000] =	vst v63  }
0x14: {  	_ = 	snop  }
0x15: {  	[tilespmem:s10], [sflag:$0x2] =	stream.linear.gather [hbm4b:s7+s2], $0x800, $0x38;
	[tilespmem:$0xD000] =	vst v63  }
.Ltmp2:
0x16: {  	_ = 	snop;
	(pc) =	sbr.rel .LBB2_2-.Ltmp2, $4  }
0x17: {  	_ =	swait.ge [sflag:s11], $0x800  }
0x18: {  	s18 =	simm.s32 $0x0;
	[sflag:s11] =	ssyncset.done $0x0  }
0x19: {  	s19 =	simm.s32 $0x0;
	s22 =	simm.s32 $0x0;
	[sflag:s11] =	ssyncadd.s32 $0xFFFFF800  }
0x1a: {  	[tilespmem:s13], [sflag:$0x3] =	stream.indirect.gather [hbm4b:s4+s12], $0x80, s2, s12, $0xb8;
	[tilespmem:$0xD000] =	vst v63  }
.LBB2_3:
0x1b: {  	s22 =	sor.u32 $0x1, s22  }
0x1c: {  	s24 =	sand.u32 $0xFFFF, s22  }
0x1d: {  	s24 =	smul.u32 $0xAAAB, s24;
	_ =	sdelay $0x1  }
0x1e: {  	s24 =	sshrl.u32 s24, $0x11  }
0x1f: {  	s24 =	smul.u32 $0x3, s24;
	_ =	sdelay $0x1  }
0x20: {  	s22 =	ssub.s32 s22, s24  }
0x21: {  	s25 =	sand.u32 $0x2000, s19;
	s26 =	sand.u32 $0x380, s18;
	s22 =	sand.u32 $0xFFFF, s22  }
0x22: {  	s29 =	sadd.s32 $0x3, s21;
	s25 =	sshrl.u32 s25, $0x2;
	s24 =	sadd.s32 @!p0 $0x6, s22  }
0x23: {  	s23 =	sadd.s32 s3, s23;
	s25 =	sor.u32 s26, s25;
	_ =	swait.ge @!p0 [sflag:s24], $0x4000  }
0x24: {  	s25 =	sor.u32 $0x400, s25;
	s28 =	sshll.u32 s22, $0xE;
	[sflag:s24] =	ssyncset.done @!p0 $0x0  }
0x25: {  	s22 =	sadd.s32 $0x3, s22;
	[sflag:s24] =	ssyncadd.s32 @!p0 $0xFFFFC000;
	s24 =	sor.u32 $0x1000, s28  }
0x26: {  	[tilespmem:s24], [sflag:s22] =	stream.indirect.gather [hbm4b:s4+s16], $0x80, s25, s16, $0xb8;
	[tilespmem:$0xD000] =	vst v63  }
0x27: {  	s23 =	smul.u32 $0xC80, s23;
	_ =	swait.ge [sflag:s29], $0x4000  }
0x28: {  	s30 =	sshll.u32 s21, $0xE;
	s31 =	sadd.s32 $0x6, s21;
	[sflag:s29] =	ssyncset.done $0x0  }
0x29: {  	s23 =	sadd.s32 s5, s23;
	s22 =	sor.u32 $0x1000, s30;
	[sflag:s29] =	ssyncadd.s32 $0xFFFFC000  }
0x2a: {  	[hbm4b:s23+s2] =	stream.linear.scatter [tilespmem:s22], [sflag:s31], $0x4000, $0x38;
	[tilespmem:$0xD000] =	vst v63  }
.LBB2_7:
0x2b: {  	p0 =	sne.s32 s20, $0x400  }
.Ltmp3:
0x2c: {  	_ = 	snop;
	(pc) =	sbr.rel @!p0 .LBB2_8-.Ltmp3, $2  }
0x2d: {  	_ =	sdelay $0x2  }
0x2e: {  	s19 =	sadd.s32 $0x200, s19;
	s18 =	sadd.s32 $0x40, s18;
	s22 =	smov.u32 s20  }
.LBB2_2:
0x2f: {  	s20 =	smul.u32 $0xAAAB, s22;
	s21 =	sand.u32 $0x1, s22  }
0x30: {  	p1 =	seq.s32 s21, $0x1  }
.Ltmp4:
0x31: {  	s20 =	sshrl.u32 s20, $0x11;
	(pc) =	sbr.rel @!p1 .LBB2_3-.Ltmp4, $3  }
0x32: {  	s20 =	smul.u32 $0x3, s20;
	_ =	sdelay $0x1  }
0x33: {  	s23 =	sshrl.u32 s22, $0x1;
	s20 =	ssub.s32 s22, s20  }
0x34: {  	p0 =	slt.u32 s22, $0x2;
	s21 =	sand.u32 $0xFFFF, s20;
	s20 =	sadd.s32 $0x1, s22  }
0x35: {  	s24 =	sadd.s32 $0x1, s22  }
0x36: {  	s25 =	sand.u32 $0xFFFF, s24  }
0x37: {  	s25 =	smul.u32 $0xAAAB, s25;
	_ =	sdelay $0x1  }
0x38: {  	s25 =	sshrl.u32 s25, $0x11  }
0x39: {  	s25 =	smul.u32 $0x3, s25  }
0x3a: {  	p1 =	seq.s32 @!p0 s22, $0x3FF  }
0x3b: {  	p1 =	por p0, !p1;
	s24 =	ssub.s32 s24, s25  }
.Ltmp5:
0x3c: {  	s24 =	sand.u32 $0xFFFF, s24;
	(pc) =	sbr.rel @!p1 .LBB2_6-.Ltmp5, $4  }
0x3d: {  	s25 =	sadd.s32 @!p0 $0x6, s24  }
0x3e: {  	_ =	swait.ge @!p0 [sflag:s25], $0x2400  }
0x3f: {  	[sflag:s25] =	ssyncset.done @!p0 $0x0  }
0x40: {  	[sflag:s25] =	ssyncadd.s32 @!p0 $0xFFFFDC00  }
0x41: {  	s25 =	sadd.s32 $0x1, s23  }
0x42: {  	s26 =	sand.u32 $0x7, s25  }
0x43: {  	p0 =	sne.s32 s26, $0x0  }
0x44: {  	s26 =	sshrl.u32 @!p0 s25, $0x3  }
0x45: {  	s26 =	sand.u32 @!p0 $0x1, s26  }
0x46: {  	s26 =	sadd.s32 @!p0 $0x1, s26  }
0x47: {  	s28 =	sshll.u32 s24, $0xE;
	_ =	swait.ge @!p0 [sflag:s26], $0x800  }
0x48: {  	s30 =	sshll.u32 s25, $0x7;
	s25 =	sshll.u32 s25, $0x8;
	[sflag:s26] =	ssyncset.done @!p0 $0x0  }
0x49: {  	s25 =	sand.u32 $0x800, s25;
	[sflag:s26] =	ssyncadd.s32 @!p0 $0xFFFFF800;
	s26 =	sand.u32 $0x380, s30  }
0x4a: {  	s31 =	sadd.s32 $0x3, s24;
	s28 =	sor.u32 $0x1000, s28;
	s25 =	sor.u32 s26, s25  }
0x4b: {  	[tilespmem:s28], [sflag:s31] =	stream.indirect.gather [hbm4b:s4+s12], $0x80, s25, s12, $0xb8;
	[tilespmem:$0xD000] =	vst v63  }
.LBB2_6:
0x4c: {  	s23 =	sadd.s32 s3, s23  }
0x4d: {  	s24 =	sadd.s32 $0x3, s21;
	s30 =	sshll.u32 s21, $0xE;
	s31 =	sadd.s32 $0x6, s21  }
0x4e: {  	s21 =	sand.u32 $0xE, s22;
	p0 =	sgt.u32 s22, $0x3DF;
	s23 =	smul.u32 $0x6400, s23  }
0x4f: {  	_ =	swait.ge [sflag:s24], $0x2400;
	p1 =	sne.s32 @!p0 s21, $0xE  }
0x50: {  	[sflag:s24] =	ssyncset.done $0x0;
	p0 =	por p1, p0;
	s23 =	sshrl.u32 s23, $0x3  }
0x51: {  	[sflag:s24] =	ssyncadd.s32 $0xFFFFDC00;
	s21 =	sshrl.u32 @!p0 s22, $0x4;
	s23 =	sadd.s32 s5, s23  }
.Ltmp6:
0x52: {  	s22 =	sand.u32 @!p0 $0x1, s21;
	s21 =	sshll.u32 @!p0 s21, $0x8;
	(pc) =	sbr.rel .LBB2_7-.Ltmp6, $4  }
0x53: {  	s24 =	sor.u32 $0x1000, s30;
	s23 =	sadd.s32 $0x800, s23;
	s21 =	sadd.s32 @!p0 s9, s21  }
0x54: {  	[hbm4b:s23+s2] =	stream.linear.scatter [tilespmem:s24], [sflag:s31], $0x2400, $0x38;
	[tilespmem:$0xD000] =	vst v63  }
0x55: {  	s23 =	sshll.u32 @!p0 s22, $0xB;
	s22 =	sadd.s32 @!p0 $0x1, s22;
	s24 =	simm.s32 @!p0 $0x0  }
0x56: {  	[tilespmem:s23], [sflag:s22] =	stream.linear.gather @!p0 [hbm4b:s21+s24], $0x800, $0x38;
	[tilespmem:$0xD000] =	vst v63  }
.LBB2_9:
0x57: {  	_ =	sfence.sel $0x180000  }
0x58: {  	[bflag:$0x0] =	sbarrier.arrive $0xFFFF  }
0x59: {  	p0 =	sne.s32 s0, $0x0;
	_ =	strace $0x90000047  }
0x5a: {  	s0 =	sadd.s32 @!p0 $0x100000, s1;
	[bflag:$0x2] =	sbarrier.arrive $0xFFFF  }
0x5b: {  	[sflag:s0] =	ssyncadd.tile.s32 @!p0 $0x1;
	_ =	shalt  }
.Lfunc_end2:
_tile_overlayer_lowered:
.L_overlay_start_2:
0x5c: {  	(tag) =	ssettag $0x2  }
0x5d: {  	s0 =	rddreg [dreg:$0x0];
	s2 =	stileid.u32  }
0x5e: {  	s1 =	rddreg [dreg:$0x1];
	p0 =	sne.s32 s2, $0x0  }
0x5f: {  	s3 =	rddreg [dreg:$0x2];
	[bflag:$0x3] =	sbarrier.arrive $0xFFFF;
	s2 =	simm.s32 @!p0 $0x1C09  }
0x60: {  	[timem:s3], [sflag:s2] =	dma.local @!p0 [hbm:s0], s1  }
0x61: {  	s0 =	simm.s32 @!p0 $0x9  }
0x62: {  	_ =	swait.ge @!p0 [sflag:s0], s1  }
0x63: {  	s1 =	ssub.s32 @!p0 $0x0, s1;
	[sflag:s0] =	ssyncset.done @!p0 $0x0  }
0x64: {  	[sflag:s0] =	ssyncadd.s32 @!p0 s1  }
0x65: {  	[bflag:$0x3] =	sbarrier.arrive $0xFFFF  }
0x66: {  	_ =	shalt  }

// kernel: sparse-core-data-format-call.cloned.1.call-start
scs
called_computation_lowered:
.L_overlay_start_0:
0x0: {  	s2 =	sld [smem:$0x3FD9]  }
0x1: {  	s3 =	sld [smem:$0x3FFE];
	_ =	sdelay $0x1  }
0x2: {  	s1 =	srdreg.scid  }
0x3: {  	s0 =	sand.u32 $0x1, s1  }
0x4: {  	s18 =	sshll.u32 s0, $0xA;
	s2 =	sadd.s32 s3, s2  }
0x5: {  	s2 =	sadd.s32 s2, s18  }
0x6: {  	[smem:$0x3FC6] =	sst s2  }
0x7: {  	_ = 	snop  }
0x8: {  	s2 =	sld [smem:$0x3FD0];
	(tm) =	ssettm $0x1  }
0x9: {  	s19 =	sld [smem:$0x3FFB];
	_ =	sdelay $0x3  }
0xa: {  	_ =	strace s19  }
0xb: {  	s3 =	sld [smem:$0x3FFC];
	_ =	sdelay $0x3  }
0xc: {  	_ =	strace s3  }
0xd: {  	s3 =	sld [smem:$0x3FFD];
	_ =	sdelay $0x3  }
0xe: {  	_ =	strace s3  }
0xf: {  	_ =	strace $0x8FFFFFFF  }
0x10: {  	s20 =	sld [smem:$0x3FDB];
	_ =	sdelay $0x1  }
0x11: {  	s4 =	simm.s32 $_scs_section_size  }
0x12: {  	s5 =	simm.s32 $_size__tile_overlayer_lowered;
	s6 =	simm.s32 $_tile_overlayer_lowered  }
0x13: {  	s23 =	simm.s32 $0x1BFF;
	s22 =	sshll.u32 s6, $0x1;
	s3 =	sadd.s32 s4, s20  }
0x14: {  	s7 =	simm.s32 $0x0;
	s21 =	sshll.u32 s5, $0x1;
	s5 =	sadd.s32 s22, s3  }
0x15: {  	[timem:s7], [sflag:s23] =	dma.local [hbm:s5], s21  }
0x16: {  	_ =	swait.ge [sflag:s23], s21  }
0x17: {  	s4 =	ssub.s32 $0x0, s21;
	[sflag:s23] =	ssyncset.done $0x0  }
0x18: {  	[sflag:s23] =	ssyncadd.s32 s4;
	_ =	sdelay $0x1  }
0x19: {  	s24 =	simm.s32 $0x1B8B  }
0x1a: {  	_ =	swait.ge [sflag:s24], $0x1  }
0x1b: {  	[sflag:s24] =	ssyncset.done $0x0  }
0x1c: {  	s26 =	simm.s32 $0x1B8E;
	s25 =	sld [smem:$0x3FFE];
	[sflag:s24] =	ssyncadd.s32 $0xFFFFFFFF  }
0x1d: {  	s27 =	simm.s32 $execute0_lowered;
	[smem:$0x3FD2] =	sst s26  }
0x1e: {  	s5 =	sshll.u32 s27, $0x1;
	_ =	strace $0x80000049;
	[dreg:$0x1] =	wrdreg $0xFFFFFFFF  }
0x1f: {  	s28 =	simm.s32 $_size_execute0_lowered;
	s3 =	sadd.s32 s3, s5;
	[dreg:$0x0] =	wrdreg $0x0  }
0x20: {  	s5 =	sshll.u32 s28, $0x1;
	[dreg:$0x2] =	wrdreg s3  }
0x21: {  	[dreg:$0x3] =	wrdreg s5  }
0x22: {  	[dreg:$0x4] =	wrdreg $0xC0  }
0x23: {  	_ =	task [dreg:s7], $0x5FFFF  }
0x24: {  	[dreg:$0x1] =	wrdreg $0xFFFFFFFF  }
0x25: {  	[dreg:$0x0] =	wrdreg $0x60  }
0x26: {  	[dreg:$0x2] =	wrdreg s25  }
0x27: {  	[dreg:$0x3] =	wrdreg s2  }
0x28: {  	[dreg:$0x4] =	wrdreg $0x9  }
0x29: {  	_ =	task.clear_ibuf [dreg:s7], $0x5FFFF;
	_ =	strace $0x90000049  }
0x2a: {  	s29 =	simm.s32 $0x9;
	_ =	strace $0x8000004B  }
0x2b: {  	_ =	swait.ge [sflag:s29], $0x1  }
0x2c: {  	[sflag:s29] =	ssyncadd.s32 $0xFFFFFFFF  }
0x2d: {  	_ =	strace $0x9000004B  }
0x2e: {  	_ =	sfence  }
0x2f: {  	s30 =	sld [smem:$0x0];
	_ =	sdelay $0x2  }
0x30: {  	s31 =	sshll.u32 s1, $0xD;
	s1 =	sshrl.u32 s1, $0x2  }
0x31: {  	s3 =	sand.u32 $0x4000, s31;
	s1 =	sadd.s32 s1, s30  }
0x32: {  	s0 =	sor.u32 s3, s0;
	s1 =	sshll.u32 s1, $0x11  }
0x33: {  	s0 =	sor.u32 s1, s0  }
0x34: {  	s0 =	sadd.s32 $0x8F2B, s0  }
0x35: {  	[sflag:s0] =	ssyncadd.remote.s32 $0x1  }
0x36: {  	_ =	sfence.sel $0xFFFF  }
0x37: {  	[dreg:$0x0] =	wrdreg $0xFFFFFFFF;
	(pc) =	sbr.abs _section_cstart, $3  }
0x38: {  	[dreg:$0x1] =	wrdreg $0xFFFFFFFF  }
0x39: {  	_ =	task.clear_ibuf [dreg:s7], $0x2FFFF;
	_ =	strace $0x9FFFFFFF  }
0x3a: {  	(tm) =	ssettm $0x7FFFFFFF  }
0x3b: {  	_ =	shalt  }
tec
execute0_lowered:
.L_overlay_start_1:
0x0: {  	(tag) =	ssettag $0x1  }
0x1: {  	s0 =	srdreg.scid  }
0x2: {  	s1 =	sshll.u32 s0, $0x4  }
0x3: {  	s0 =	stileid.u32;
	s1 =	sand.u32 $0x10, s1  }
0x4: {  	s1 =	sor.u32 s0, s1  }
0x5: {  	s6 =	rddreg [dreg:$0x0];
	s4 =	simm.s32 $0x1;
	s2 =	sshll.u32 s1, $0x7  }
0x6: {  	s7 =	simm.s32 $0x2;
	s12 =	simm.s32 $0x0;
	s1 =	ssub.s32 $0x4000, s2  }
0x7: {  	s8 =	simm.s32 $0x20000;
	s13 =	simm.s32 $0x0;
	s3 =	sand.u32 $0xF80, s1  }
0x8: {  	s9 =	simm.s32 $0x0;
	s5 =	sshrl.u32 s1, $0xC;
	p0 =	sne.s32 s3, $0x0  }
.Ltmp0:
0x9: {  	s1 =	rddreg [dreg:$0x2];
	s4 =	simm.s32 @!p0 $0x0;
	(pc) =	sbr.rel .LBB1_1-.Ltmp0, $4  }
0xa: {  	s11 =	simm.s32 $0x0;
	s3 =	rddreg [dreg:$0x1];
	s5 =	sadd.s32 s4, s5  }
0xb: {  	_ =	strace $0x8000004A;
	s4 =	simm.s32 $0x1;
	s5 =	smul.u32 $0xC8, s5  }
0xc: {  	s6 =	sadd.s32 $0xFC2C00, s6;
	s10 =	smov.u32 s2;
	[sflag:s4] =	ssyncpa.u1 $0x0  }
0xd: {  	p0 =	por $0x0, $0x0;
	[sflag:s7] =	ssyncpa.u1 $0x0;
	s7 =	sor.u32 $0x1, s5  }
.LBB1_4:
0xe: {  	s16 =	sshll.u32 s13, $0x3;
	s17 =	sand.u32 $0x78, s13  }
0xf: {  	s30 =	sand.u32 $0x1F800, s13;
	s12 =	sshll.u32 s12, $0x11;
	s16 =	sand.u32 $0x3C00, s16  }
0x10: {  	[tilespmem:s15+$0x810 ss:$0x81] =	vst.msk $0xffff, v2;
	s31 =	sand.u32 $0x7, s13;
	s16 =	sor.u32 s17, s16;
	s17 =	sadd.s32 s3, s30  }
0x11: {  	[tilespmem:s15+$0x1020 ss:$0x81] =	vst.msk $0xffff, v0;
	s13 =	sshll.u32 s31, $0x12;
	s12 =	sadd.s32 s12, s17;
	s16 =	sshrl.u32 s16, $0x3  }
0x12: {  	[tilespmem:s15+$0x0 ss:$0x81] =	vst.msk $0xffff, v1;
	s13 =	sor.u32 $0x400, s13;
	s12 =	sadd.s32 s16, s12  }
0x13: {  	[hbm4b:s12+s13] =	stream.strided.scatter [tilespmem:s14], [sflag:$0x2], $0x2000, s8, s13, $0x20;
	[tilespmem:$0x8080] =	vst v63  }
.LBB1_5:
0x14: {  	s14 =	sadd.s32 $0x1, s9  }
0x15: {  	s12 =	sadd.s32 $0x1000, s10;
	s16 =	smov.u32 s10;
	p2 =	sgt.s32 s14, $0xC7  }
0x16: {  	s16 =	smov.u32 @p2 s12  }
0x17: {  	s14 =	simm.s32 @p2 $0x0;
	p2 =	sgt.s32 s16, $0x3FFF  }
0x18: {  	s16 =	smov.u32 @p2 s2;
	p2 =	sne.s32 s11, s7  }
.Ltmp1:
0x19: {  	p1 =	slt.u32 s11, $0x2;
	(pc) =	sbr.rel @!p2 .LBB1_6-.Ltmp1, $4  }
0x1a: {  	s15 =	simm.s32 @!p1 $0x2  }
0x1b: {  	s13 =	smov.u32 s10;
	p0 =	por !p0, !p0;
	_ =	swait.ge @!p1 [sflag:s15], $0x2000  }
0x1c: {  	s12 =	smov.u32 s9;
	[sflag:s15] =	ssyncset.done @!p1 $0x0;
	s9 =	smov.u32 s14  }
0x1d: {  	s11 =	sadd.s32 $0x1, s11;
	[sflag:s15] =	ssyncadd.s32 @!p1 $0xFFFFE000;
	s10 =	smov.u32 s16  }
.LBB1_1:
0x1e: {  	p1 =	sge.u32 s11, s5  }
0x1f: {  	s14 =	sand.u32 @!p1 $0x1FFFFFF, s9  }
0x20: {  	s15 =	smulhi.u32 @!p1 $0x147AE15, s14;
	_ =	sdelay $0x1  }
0x21: {  	s15 =	smul.u32 @!p1 $0xC8, s15  }
0x22: {  	s16 =	sxor.u32 @!p1 $0xFFFFFFFF, s11;
	s17 =	smul.u32 @!p1 $0xC80, s10  }
0x23: {  	s31 =	sadd.s32 $0xFFFFFFFF, s11;
	s16 =	sshll.u32 @!p1 s16, $0xD;
	s14 =	ssub.s32 @!p1 s14, s15  }
0x24: {  	s15 =	sand.u32 @!p1 $0x2000, s16;
	s16 =	sadd.s32 @!p1 s6, s17;
	s14 =	sshll.u32 @!p1 s14, $0x4  }
0x25: {  	s17 =	simm.s32 @!p1 $0x6400;
	s14 =	sadd.s32 @!p1 s14, s16;
	s16 =	simm.s32 @!p1 $0x40  }
0x26: {  	[tilespmem:s15], [sflag:$0x1] =	stream.strided.gather @!p1 [hbm4b:s14+s16], $0x2000, s17, s16, $0x38;
	[tilespmem:$0x8080] =	vst v63  }
0x27: {  	p1 =	sge.u32 s31, s5  }
.Ltmp2:
0x28: {  	_ = 	snop;
	(pc) =	sbr.rel @p1 .LBB1_5-.Ltmp2, $1  }
0x29: {  	_ =	sdelay $0x3  }
0x2a: {  	s14 =	simm.s32 $0x1  }
0x2b: {  	_ =	swait.ge [sflag:s4], $0x2000;
	s14 =	simm.s32 @!p0 $0x0  }
0x2c: {  	[sflag:s4] =	ssyncset.done $0x0;
	s15 =	sshll.u32 s14, $0xD  }
0x2d: {  	[sflag:s4] =	ssyncadd.s32 $0xFFFFE000;
	s18 =	sor.u32 $0x20, s15  }
0x2e: {  	s14 =	smul.u32 $0x8100, s14;
	v3 =	vld [tilespmem:s18+$0x10]  }
0x2f: {  	s30 =	sand.u32 $0x1, s11;
	v2 =	vld [tilespmem:s18+$0xFFFFFFF0]  }
0x30: {  	s15 =	smul.u32 $0x8100, s30;
	s14 =	sshrl.u32 s14, $0x2;
	v0 =	vld [tilespmem:s18+$0x0]  }
0x31: {  	v1 =	vld [tilespmem:s18+$0xFFFFFFE0];
	s16 =	sor.u32 $0x4000, s14  }
0x32: {  	s31 =	sshrl.u32 s15, $0x2;
	s15 =	sadd.s32 $0x0, s16  }
0x33: {  	s17 =	simm.s32 $0x4;
	s18 =	sadd.s32 $0x40, s18;
	s14 =	sor.u32 $0x4000, s31;
	[tilespmem:s15+$0x1830 ss:$0x81] =	vst.msk $0xffff, v3  }
.LBB1_3:
0x34: {  	v3 =	vld [tilespmem:s18+$0x10];
	p1 =	sne.s32 s17, $0x1FC;
	[tilespmem:s15+$0x810 ss:$0x81] =	vst.msk $0xffff, v2;
	s19 =	smov.u32 s17;
	s17 =	sadd.s32 $0x4, s17  }
.Ltmp3:
0x35: {  	v2 =	vld [tilespmem:s18+$0xFFFFFFF0];
	[tilespmem:s15+$0x1020 ss:$0x81] =	vst.msk $0xffff, v0;
	(pc) =	sbr.rel @p1 .LBB1_3-.Ltmp3, $4  }
0x36: {  	v0 =	vld [tilespmem:s18+$0x0];
	[tilespmem:s15+$0x0 ss:$0x81] =	vst.msk $0xffff, v1  }
0x37: {  	s15 =	sshra.s32 s19, $0x2;
	v1 =	vld [tilespmem:s18+$0xFFFFFFE0]  }
0x38: {  	s15 =	sadd.s32 s15, s16  }
0x39: {  	s18 =	sadd.s32 $0x40, s18;
	[tilespmem:s15+$0x1830 ss:$0x81] =	vst.msk $0xffff, v3  }
.Ltmp4:
0x3a: {  	_ = 	snop;
	(pc) =	sbr.rel .LBB1_4-.Ltmp4, $1  }
0x3b: {  	_ =	sdelay $0x3  }
.LBB1_6:
0x3c: {  	_ =	sfence.sel $0x180000  }
0x3d: {  	s2 =	simm.s32 $0x1;
	[bflag:$0x0] =	sbarrier.arrive $0xFFFF  }
0x3e: {  	s31 =	simm.s32 $0x2;
	[sflag:s2] =	ssyncpa.u1 $0x1  }
0x3f: {  	[sflag:s31] =	ssyncpa.u1 $0x1  }
0x40: {  	p0 =	sne.s32 s0, $0x0;
	_ =	strace $0x9000004A  }
0x41: {  	s0 =	sadd.s32 @!p0 $0x100000, s1;
	[bflag:$0x2] =	sbarrier.arrive $0xFFFF  }
0x42: {  	[sflag:s0] =	ssyncadd.tile.s32 @!p0 $0x1;
	_ =	shalt  }
.Lfunc_end1:
_tile_overlayer_lowered:
.L_overlay_start_2:
0x43: {  	(tag) =	ssettag $0x2  }
0x44: {  	s0 =	rddreg [dreg:$0x0];
	s2 =	stileid.u32  }
0x45: {  	s1 =	rddreg [dreg:$0x1];
	p0 =	sne.s32 s2, $0x0  }
0x46: {  	s3 =	rddreg [dreg:$0x2];
	[bflag:$0x3] =	sbarrier.arrive $0xFFFF;
	s2 =	simm.s32 @!p0 $0x1C01  }
0x47: {  	[timem:s3], [sflag:s2] =	dma.local @!p0 [hbm:s0], s1  }
0x48: {  	s0 =	simm.s32 @!p0 $0x1  }
0x49: {  	_ =	swait.ge @!p0 [sflag:s0], s1  }
0x4a: {  	s1 =	ssub.s32 @!p0 $0x0, s1;
	[sflag:s0] =	ssyncset.done @!p0 $0x0  }
0x4b: {  	[sflag:s0] =	ssyncadd.s32 @!p0 s1  }
0x4c: {  	[bflag:$0x3] =	sbarrier.arrive $0xFFFF  }
0x4d: {  	_ =	shalt  }

</sc_bundles>
